<compile_context>
chip_gen: v7x
topology: tpu7x:2x2x1
jax: 0.10.2.dev20260603
libtpu: 0.0.44.dev20260713+nightly
codegen_flags: <defaults>
</compile_context>

<pallas_src>
import functools

import jax
import jax.numpy as jnp
from jax import lax
from jax.experimental import pallas as pl
from jax.experimental.pallas import tpu as pltpu
from jax.experimental.pallas import tpu_sc as plsc

D_EDGE = 16
N_BINS = 7
W_OUT = D_EDGE + N_BINS
LANES = 16
NC, NS = 2, 16
NW = NC * NS


@functools.lru_cache(maxsize=None)
def _build(E: int, C: int):
    n_chunks = E // C
    n_groups = C // LANES
    n_rounds = ((n_chunks + NW - 1) // NW + 1) // 2
    mesh = plsc.VectorSubcoreMesh(core_axis_name="c", subcore_axis_name="s")

    @functools.partial(
        pl.kernel,
        mesh=mesh,
        compiler_params=pltpu.CompilerParams(
            needs_layout_passes=False, use_tc_tiling_on_sc=True
        ),
        out_type=jax.ShapeDtypeStruct((W_OUT, E), jnp.float32),
        scratch_types=[
            pltpu.VMEM((2, C), jnp.int32),
            pltpu.VMEM((2, C), jnp.int32),
            pltpu.VMEM((2, N_BINS, C), jnp.float32),
            pltpu.VMEM((2, D_EDGE, C), jnp.float32),
            pltpu.SemaphoreType.DMA,
            pltpu.SemaphoreType.DMA,
            pltpu.SemaphoreType.DMA,
            pltpu.SemaphoreType.DMA,
        ],
    )
    def k(s_hbm, r_hbm, x_hbm, o_hbm, s_v, r_v, ob_v, fb_v, rs0, rs1, ws0, ws1):
        wid = lax.axis_index("s") * NC + lax.axis_index("c")
        rs = (rs0, rs1)
        ws = (ws0, ws1)

        def read_copies(j, b):
            e0 = (wid + j * NW) * C
            return (
                pltpu.make_async_copy(s_hbm.at[pl.ds(e0, C)], s_v.at[b], rs[b]),
                pltpu.make_async_copy(r_hbm.at[pl.ds(e0, C)], r_v.at[b], rs[b]),
                pltpu.make_async_copy(
                    x_hbm.at[:, pl.ds(e0, C)], fb_v.at[b], rs[b]
                ),
            )

        def write_copies(j, b):
            e0 = (wid + j * NW) * C
            return (
                pltpu.make_async_copy(
                    ob_v.at[b],
                    o_hbm.at[pl.ds(D_EDGE, N_BINS), pl.ds(e0, C)],
                    ws[b],
                ),
                pltpu.make_async_copy(
                    fb_v.at[b],
                    o_hbm.at[pl.ds(0, D_EDGE), pl.ds(e0, C)],
                    ws[b],
                ),
            )

        def issue(copies):
            for cp in copies:
                cp.start()

        def drain(copies):
            for cp in copies:
                cp.wait()

        @pl.when(wid < n_chunks)
        def _():
            issue(read_copies(0, 0))

        def round_body(rnd, carry):
            for b in range(2):
                j = rnd * 2 + b
                ck = wid + j * NW

                @pl.when(ck < n_chunks)
                def _(j=j, b=b):
                    @pl.when(ck + NW < n_chunks)
                    def _():
                        if b == 1:
                            drain(write_copies(j - 1, 1 - b))
                        else:

                            @pl.when(rnd >= 1)
                            def _():
                                drain(write_copies(j - 1, 1 - b))

                        issue(read_copies(j + 1, 1 - b))

                    drain(read_copies(j, b))

                    def group_body(g, gcarry):
                        gb = g * LANES
                        s = s_v[b, pl.ds(gb, LANES)]
                        r = r_v[b, pl.ds(gb, LANES)]
                        sep = s - r + 1
                        idx = jnp.clip(sep + 5, 0, 6) + jnp.clip(
                            sep + 10, 0, 1
                        )
                        cls = 6 - idx
                        for c in range(N_BINS):
                            vals = jnp.where(cls == c, 1.0, 0.0).astype(
                                jnp.float32
                            )
                            ob_v[b, c, pl.ds(gb, LANES)] = vals
                        return gcarry

                    lax.fori_loop(0, n_groups, group_body, 0)
                    issue(write_copies(j, b))

            return carry

        lax.fori_loop(0, n_rounds, round_body, 0)

        nj = (n_chunks - wid + NW - 1) // NW
        for b in range(2):

            @pl.when((nj >= 1) & ((nj - 1) % 2 == b))
            def _(b=b):
                drain(write_copies(nj - 1, b))

            @pl.when((nj >= 2) & ((nj - 2) % 2 == b))
            def _(b=b):
                drain(write_copies(nj - 2, b))

    return k


def kernel(senders, receivers, edge_features):
    E = senders.shape[0]
    C = 1280
    assert E % C == 0 and C % 128 == 0
    k = _build(E, C)
    out_t = k(senders, receivers, edge_features.T)
    return out_t.T

# --- scband reference (transcript-rebuilt; emitter-appended) ---
"""Pipeline reference for scband-categorical-separation-encoding-edges-24438363914617 (READ-ONLY COPY).

The authoritative reference and input builder live on the scoring server;
editing this copy changes nothing except your own understanding.
"""

import jax, jax.numpy as jnp
import numpy as np

E = 1600000
N = 100000
D_EDGE = 16


def setup_inputs(seed: int = 0) -> dict:
    key = jax.random.key(seed)
    k1, k2, k3 = jax.random.split(key, 3)
    # Ensure senders < receivers so separation = senders - receivers + 1 <= 0,
    # keeping the bin class in-range exactly as the original data distribution implies.
    senders = jax.random.randint(k1, (E,), 0, N - 128, dtype=jnp.int32)
    offset = jax.random.randint(k2, (E,), 1, 100, dtype=jnp.int32)
    receivers = senders + offset
    edge_features = jax.random.normal(k3, (E, D_EDGE), dtype=jnp.float32)
    return {"senders": senders, "receivers": receivers, "edge_features": edge_features}


def reference(senders, receivers, edge_features):
    # bins = -tensor([0,1,2,3,4,5,10]).flip(0) = [-10,-5,-4,-3,-2,-1,0] (ascending)
    bins = -jnp.flip(jnp.array([0.0, 1.0, 2.0, 3.0, 4.0, 5.0, 10.0], dtype=jnp.float32))
    n_bins = bins.shape[0]
    separation = (senders - receivers + 1).astype(jnp.float32)
    # torch.searchsorted default side='left' matches jnp.searchsorted side='left'
    idx = jnp.searchsorted(bins, separation, side='left')
    separation_cls = (n_bins - 1 - idx).astype(jnp.int32)
    # scatter_(value=1.0, index=cls, dim=1) onto a zeros [E, n_bins] buffer
    separation_onehot = jnp.zeros((E, n_bins), dtype=jnp.float32).at[jnp.arange(E), separation_cls].set(1.0)
    return jnp.concatenate([edge_features, separation_onehot], axis=1)

if __name__ == "__main__":
    import jax
    _d = setup_inputs()
    print(jax.jit(kernel)(*tuple(_d.values())))

</pallas_src>

<mosaic_0001>
#map = affine_map<(d0, d1) -> (0)>
#map1 = affine_map<(d0, d1) -> (0, 0)>
module attributes {stable_mosaic.version = 14 : i64} {
  func.func @k(%arg0: i32, %arg1: i32, %arg2: memref<1600000xi32, #tpu.memory_space<hbm>>, %arg3: memref<1600000xi32, #tpu.memory_space<hbm>>, %arg4: memref<16x1600000xf32, #tpu.memory_space<hbm>>, %arg5: memref<23x1600000xf32, #tpu.memory_space<hbm>>, %arg6: memref<2x1280xi32, #tpu.memory_space<vmem>>, %arg7: memref<2x1280xi32, #tpu.memory_space<vmem>>, %arg8: memref<2x7x1280xf32, #tpu.memory_space<vmem>>, %arg9: memref<2x16x1280xf32, #tpu.memory_space<vmem>>, %arg10: memref<!tpu.dma_semaphore, #tpu.memory_space<semaphore_mem>>, %arg11: memref<!tpu.dma_semaphore, #tpu.memory_space<semaphore_mem>>, %arg12: memref<!tpu.dma_semaphore, #tpu.memory_space<semaphore_mem>>, %arg13: memref<!tpu.dma_semaphore, #tpu.memory_space<semaphore_mem>>) attributes {dimension_semantics = [#tpu.dimension_semantics<core_parallel>, #tpu.dimension_semantics<subcore_parallel>], iteration_bounds = array<i64: 2, 16>, scalar_prefetch = 0 : i64, scratch_operands = 8 : i64, tpu.core_type = #tpu.core_type<sc_vector_subcore>, window_params = [{transform_indices = #map}, {transform_indices = #map}, {transform_indices = #map1}, {transform_indices = #map1}]} {
    %mul3A = arith.constant 2 : i32
    %mul3A_0 = arith.muli %arg1, %mul3A : i32
    %add3A = arith.addi %mul3A_0, %arg0 : i32
    %lt3A = arith.constant 1250 : i32
    %lt3A_1 = arith.cmpi slt, %add3A, %lt3A : i32
    %convert_element_type3A = arith.extui %lt3A_1 : i1 to i32
    %cond3A = arith.constant 0 : i32
    %cond3A_2 = arith.cmpi ne, %convert_element_type3A, %cond3A : i32
    scf.if %cond3A_2 {
      %add3A_132 = arith.constant 0 : i32
      %add3A_133 = arith.addi %add3A, %add3A_132 : i32
      %mul3A_134 = arith.constant 1280 : i32
      %mul3A_135 = arith.muli %add3A_133, %mul3A_134 : i32
      %dma_start3A = arith.constant 0 : i32
      %dma_start3A_136 = arith.constant 0 : i32
      %dma_start3A_137 = tpu.memref_slice %arg6[%dma_start3A, %dma_start3A_136] : memref<2x1280xi32, #tpu.memory_space<vmem>> -> memref<1x1280xi32, #tpu.memory_space<vmem>>
      %dma_start3A_138 = tpu.memref_squeeze %dma_start3A_137 : memref<1x1280xi32, #tpu.memory_space<vmem>> -> memref<1280xi32, #tpu.memory_space<vmem>>
      %dma_start3A_139 = tpu.memref_slice %arg2[%mul3A_135] : memref<1600000xi32, #tpu.memory_space<hbm>> -> memref<1280xi32, #tpu.memory_space<hbm>>
      %dma_start3A_140 = arith.constant 0 : i32
      %dma_start3A_141 = tpu.memref_slice %arg6[%dma_start3A, %dma_start3A_140] : memref<2x1280xi32, #tpu.memory_space<vmem>> -> memref<1x1280xi32, #tpu.memory_space<vmem>>
      %dma_start3A_142 = tpu.memref_squeeze %dma_start3A_141 : memref<1x1280xi32, #tpu.memory_space<vmem>> -> memref<1280xi32, #tpu.memory_space<vmem>>
      %dma_start3A_143 = tpu.memref_slice %arg2[%mul3A_135] : memref<1600000xi32, #tpu.memory_space<hbm>> -> memref<1280xi32, #tpu.memory_space<hbm>>
      tpu.enqueue_dma source(%dma_start3A_143 : memref<1280xi32, #tpu.memory_space<hbm>>) target(%dma_start3A_142 : memref<1280xi32, #tpu.memory_space<vmem>>) target_semaphore(%arg10 : memref<!tpu.dma_semaphore, #tpu.memory_space<semaphore_mem>>)
      %dma_start3A_144 = arith.constant 0 : i32
      %dma_start3A_145 = arith.constant 0 : i32
      %dma_start3A_146 = tpu.memref_slice %arg7[%dma_start3A_144, %dma_start3A_145] : memref<2x1280xi32, #tpu.memory_space<vmem>> -> memref<1x1280xi32, #tpu.memory_space<vmem>>
      %dma_start3A_147 = tpu.memref_squeeze %dma_start3A_146 : memref<1x1280xi32, #tpu.memory_space<vmem>> -> memref<1280xi32, #tpu.memory_space<vmem>>
      %dma_start3A_148 = tpu.memref_slice %arg3[%mul3A_135] : memref<1600000xi32, #tpu.memory_space<hbm>> -> memref<1280xi32, #tpu.memory_space<hbm>>
      %dma_start3A_149 = arith.constant 0 : i32
      %dma_start3A_150 = tpu.memref_slice %arg7[%dma_start3A_144, %dma_start3A_149] : memref<2x1280xi32, #tpu.memory_space<vmem>> -> memref<1x1280xi32, #tpu.memory_space<vmem>>
      %dma_start3A_151 = tpu.memref_squeeze %dma_start3A_150 : memref<1x1280xi32, #tpu.memory_space<vmem>> -> memref<1280xi32, #tpu.memory_space<vmem>>
      %dma_start3A_152 = tpu.memref_slice %arg3[%mul3A_135] : memref<1600000xi32, #tpu.memory_space<hbm>> -> memref<1280xi32, #tpu.memory_space<hbm>>
      tpu.enqueue_dma source(%dma_start3A_152 : memref<1280xi32, #tpu.memory_space<hbm>>) target(%dma_start3A_151 : memref<1280xi32, #tpu.memory_space<vmem>>) target_semaphore(%arg10 : memref<!tpu.dma_semaphore, #tpu.memory_space<semaphore_mem>>)
      %dma_start3A_153 = arith.constant 0 : i32
      %dma_start3A_154 = arith.constant 0 : i32
      %dma_start3A_155 = arith.constant 0 : i32
      %dma_start3A_156 = tpu.memref_slice %arg9[%dma_start3A_153, %dma_start3A_154, %dma_start3A_155] : memref<2x16x1280xf32, #tpu.memory_space<vmem>> -> memref<1x16x1280xf32, #tpu.memory_space<vmem>>
      %dma_start3A_157 = tpu.memref_squeeze %dma_start3A_156 : memref<1x16x1280xf32, #tpu.memory_space<vmem>> -> memref<16x1280xf32, #tpu.memory_space<vmem>>
      %dma_start3A_158 = arith.constant 0 : i32
      %dma_start3A_159 = tpu.memref_slice %arg4[%dma_start3A_158, %mul3A_135] : memref<16x1600000xf32, #tpu.memory_space<hbm>> -> memref<16x1280xf32, #tpu.memory_space<hbm>>
      %dma_start3A_160 = arith.constant 0 : i32
      %dma_start3A_161 = arith.constant 0 : i32
      %dma_start3A_162 = tpu.memref_slice %arg9[%dma_start3A_153, %dma_start3A_160, %dma_start3A_161] : memref<2x16x1280xf32, #tpu.memory_space<vmem>> -> memref<1x16x1280xf32, #tpu.memory_space<vmem>>
      %dma_start3A_163 = tpu.memref_squeeze %dma_start3A_162 : memref<1x16x1280xf32, #tpu.memory_space<vmem>> -> memref<16x1280xf32, #tpu.memory_space<vmem>>
      %dma_start3A_164 = arith.constant 0 : i32
      %dma_start3A_165 = tpu.memref_slice %arg4[%dma_start3A_164, %mul3A_135] : memref<16x1600000xf32, #tpu.memory_space<hbm>> -> memref<16x1280xf32, #tpu.memory_space<hbm>>
      tpu.enqueue_dma source(%dma_start3A_165 : memref<16x1280xf32, #tpu.memory_space<hbm>>) target(%dma_start3A_163 : memref<16x1280xf32, #tpu.memory_space<vmem>>) target_semaphore(%arg10 : memref<!tpu.dma_semaphore, #tpu.memory_space<semaphore_mem>>)
    } else {
    }
    %scan3A = arith.constant 0 : i32
    %scan3A_3 = arith.constant 0 : i32
    %scan3A_4 = arith.constant 20 : i32
    %scan3A_5 = arith.addi %scan3A_3, %scan3A_4 : i32
    %scan3A_6 = arith.constant 1 : i32
    scf.for %scan3A_132 = %scan3A_3 to %scan3A_5 step %scan3A_6  : i32 {
      %mul3A_133 = arith.constant 2 : i32
      %mul3A_134 = arith.muli %scan3A_132, %mul3A_133 : i32
      %add3A_135 = arith.constant 0 : i32
      %add3A_136 = arith.addi %mul3A_134, %add3A_135 : i32
      %mul3A_137 = arith.constant 32 : i32
      %mul3A_138 = arith.muli %add3A_136, %mul3A_137 : i32
      %add3A_139 = arith.addi %add3A, %mul3A_138 : i32
      %lt3A_140 = arith.constant 1250 : i32
      %lt3A_141 = arith.cmpi slt, %add3A_139, %lt3A_140 : i32
      %convert_element_type3A_142 = arith.extui %lt3A_141 : i1 to i32
      %cond3A_143 = arith.constant 0 : i32
      %cond3A_144 = arith.cmpi ne, %convert_element_type3A_142, %cond3A_143 : i32
      scf.if %cond3A_144 {
        %add3A_157 = arith.constant 32 : i32
        %add3A_158 = arith.addi %add3A_139, %add3A_157 : i32
        %lt3A_159 = arith.constant 1250 : i32
        %lt3A_160 = arith.cmpi slt, %add3A_158, %lt3A_159 : i32
        %convert_element_type3A_161 = arith.extui %lt3A_160 : i1 to i32
        %cond3A_162 = arith.constant 0 : i32
        %cond3A_163 = arith.cmpi ne, %convert_element_type3A_161, %cond3A_162 : i32
        scf.if %cond3A_163 {
          %ge3A_235 = arith.constant 1 : i32
          %ge3A_236 = arith.cmpi sge, %scan3A_132, %ge3A_235 : i32
          %convert_element_type3A_237 = arith.extui %ge3A_236 : i1 to i32
          %cond3A_238 = arith.constant 0 : i32
          %cond3A_239 = arith.cmpi ne, %convert_element_type3A_237, %cond3A_238 : i32
          scf.if %cond3A_239 {
            %sub3A_278 = arith.constant 1 : i32
            %sub3A_279 = arith.subi %add3A_136, %sub3A_278 : i32
            %mul3A_280 = arith.constant 32 : i32
            %mul3A_281 = arith.muli %sub3A_279, %mul3A_280 : i32
            %add3A_282 = arith.addi %add3A, %mul3A_281 : i32
            %mul3A_283 = arith.constant 1280 : i32
            %mul3A_284 = arith.muli %add3A_282, %mul3A_283 : i32
            %dma_wait3A_285 = arith.constant 1 : i32
            %dma_wait3A_286 = arith.constant 0 : i32
            %dma_wait3A_287 = arith.constant 0 : i32
            %dma_wait3A_288 = tpu.memref_slice %arg8[%dma_wait3A_285, %dma_wait3A_286, %dma_wait3A_287] : memref<2x7x1280xf32, #tpu.memory_space<vmem>> -> memref<1x7x1280xf32, #tpu.memory_space<vmem>>
            %dma_wait3A_289 = tpu.memref_squeeze %dma_wait3A_288 : memref<1x7x1280xf32, #tpu.memory_space<vmem>> -> memref<7x1280xf32, #tpu.memory_space<vmem>>
            %dma_wait3A_290 = arith.constant 16 : i32
            %dma_wait3A_291 = tpu.memref_slice %arg5[%dma_wait3A_290, %mul3A_284] : memref<23x1600000xf32, #tpu.memory_space<hbm>> -> memref<7x1280xf32, #tpu.memory_space<hbm>>
            %dma_wait3A_292 = arith.constant 16 : i32
            %dma_wait3A_293 = tpu.memref_slice %arg5[%dma_wait3A_292, %mul3A_284] : memref<23x1600000xf32, #tpu.memory_space<hbm>> -> memref<7x1280xf32, #tpu.memory_space<hbm>>
            %dma_wait3A_294 = arith.constant 0 : i32
            %dma_wait3A_295 = arith.constant 0 : i32
            %dma_wait3A_296 = tpu.memref_slice %arg8[%dma_wait3A_285, %dma_wait3A_294, %dma_wait3A_295] : memref<2x7x1280xf32, #tpu.memory_space<vmem>> -> memref<1x7x1280xf32, #tpu.memory_space<vmem>>
            %dma_wait3A_297 = tpu.memref_squeeze %dma_wait3A_296 : memref<1x7x1280xf32, #tpu.memory_space<vmem>> -> memref<7x1280xf32, #tpu.memory_space<vmem>>
            tpu.wait_dma2 semaphore(%arg13 : memref<!tpu.dma_semaphore, #tpu.memory_space<semaphore_mem>>) src(%dma_wait3A_297 : memref<7x1280xf32, #tpu.memory_space<vmem>>) dst(%dma_wait3A_293 : memref<7x1280xf32, #tpu.memory_space<hbm>>)
            %dma_wait3A_298 = arith.constant 1 : i32
            %dma_wait3A_299 = arith.constant 0 : i32
            %dma_wait3A_300 = arith.constant 0 : i32
            %dma_wait3A_301 = tpu.memref_slice %arg9[%dma_wait3A_298, %dma_wait3A_299, %dma_wait3A_300] : memref<2x16x1280xf32, #tpu.memory_space<vmem>> -> memref<1x16x1280xf32, #tpu.memory_space<vmem>>
            %dma_wait3A_302 = tpu.memref_squeeze %dma_wait3A_301 : memref<1x16x1280xf32, #tpu.memory_space<vmem>> -> memref<16x1280xf32, #tpu.memory_space<vmem>>
            %dma_wait3A_303 = arith.constant 0 : i32
            %dma_wait3A_304 = tpu.memref_slice %arg5[%dma_wait3A_303, %mul3A_284] : memref<23x1600000xf32, #tpu.memory_space<hbm>> -> memref<16x1280xf32, #tpu.memory_space<hbm>>
            %dma_wait3A_305 = arith.constant 0 : i32
            %dma_wait3A_306 = tpu.memref_slice %arg5[%dma_wait3A_305, %mul3A_284] : memref<23x1600000xf32, #tpu.memory_space<hbm>> -> memref<16x1280xf32, #tpu.memory_space<hbm>>
            %dma_wait3A_307 = arith.constant 0 : i32
            %dma_wait3A_308 = arith.constant 0 : i32
            %dma_wait3A_309 = tpu.memref_slice %arg9[%dma_wait3A_298, %dma_wait3A_307, %dma_wait3A_308] : memref<2x16x1280xf32, #tpu.memory_space<vmem>> -> memref<1x16x1280xf32, #tpu.memory_space<vmem>>
            %dma_wait3A_310 = tpu.memref_squeeze %dma_wait3A_309 : memref<1x16x1280xf32, #tpu.memory_space<vmem>> -> memref<16x1280xf32, #tpu.memory_space<vmem>>
            tpu.wait_dma2 semaphore(%arg13 : memref<!tpu.dma_semaphore, #tpu.memory_space<semaphore_mem>>) src(%dma_wait3A_310 : memref<16x1280xf32, #tpu.memory_space<vmem>>) dst(%dma_wait3A_306 : memref<16x1280xf32, #tpu.memory_space<hbm>>)
          } else {
          }
          %add3A_240 = arith.constant 1 : i32
          %add3A_241 = arith.addi %add3A_136, %add3A_240 : i32
          %mul3A_242 = arith.constant 32 : i32
          %mul3A_243 = arith.muli %add3A_241, %mul3A_242 : i32
          %add3A_244 = arith.addi %add3A, %mul3A_243 : i32
          %mul3A_245 = arith.constant 1280 : i32
          %mul3A_246 = arith.muli %add3A_244, %mul3A_245 : i32
          %dma_start3A_247 = arith.constant 1 : i32
          %dma_start3A_248 = arith.constant 0 : i32
          %dma_start3A_249 = tpu.memref_slice %arg6[%dma_start3A_247, %dma_start3A_248] : memref<2x1280xi32, #tpu.memory_space<vmem>> -> memref<1x1280xi32, #tpu.memory_space<vmem>>
          %dma_start3A_250 = tpu.memref_squeeze %dma_start3A_249 : memref<1x1280xi32, #tpu.memory_space<vmem>> -> memref<1280xi32, #tpu.memory_space<vmem>>
          %dma_start3A_251 = tpu.memref_slice %arg2[%mul3A_246] : memref<1600000xi32, #tpu.memory_space<hbm>> -> memref<1280xi32, #tpu.memory_space<hbm>>
          %dma_start3A_252 = arith.constant 0 : i32
          %dma_start3A_253 = tpu.memref_slice %arg6[%dma_start3A_247, %dma_start3A_252] : memref<2x1280xi32, #tpu.memory_space<vmem>> -> memref<1x1280xi32, #tpu.memory_space<vmem>>
          %dma_start3A_254 = tpu.memref_squeeze %dma_start3A_253 : memref<1x1280xi32, #tpu.memory_space<vmem>> -> memref<1280xi32, #tpu.memory_space<vmem>>
          %dma_start3A_255 = tpu.memref_slice %arg2[%mul3A_246] : memref<1600000xi32, #tpu.memory_space<hbm>> -> memref<1280xi32, #tpu.memory_space<hbm>>
          tpu.enqueue_dma source(%dma_start3A_255 : memref<1280xi32, #tpu.memory_space<hbm>>) target(%dma_start3A_254 : memref<1280xi32, #tpu.memory_space<vmem>>) target_semaphore(%arg11 : memref<!tpu.dma_semaphore, #tpu.memory_space<semaphore_mem>>)
          %dma_start3A_256 = arith.constant 1 : i32
          %dma_start3A_257 = arith.constant 0 : i32
          %dma_start3A_258 = tpu.memref_slice %arg7[%dma_start3A_256, %dma_start3A_257] : memref<2x1280xi32, #tpu.memory_space<vmem>> -> memref<1x1280xi32, #tpu.memory_space<vmem>>
          %dma_start3A_259 = tpu.memref_squeeze %dma_start3A_258 : memref<1x1280xi32, #tpu.memory_space<vmem>> -> memref<1280xi32, #tpu.memory_space<vmem>>
          %dma_start3A_260 = tpu.memref_slice %arg3[%mul3A_246] : memref<1600000xi32, #tpu.memory_space<hbm>> -> memref<1280xi32, #tpu.memory_space<hbm>>
          %dma_start3A_261 = arith.constant 0 : i32
          %dma_start3A_262 = tpu.memref_slice %arg7[%dma_start3A_256, %dma_start3A_261] : memref<2x1280xi32, #tpu.memory_space<vmem>> -> memref<1x1280xi32, #tpu.memory_space<vmem>>
          %dma_start3A_263 = tpu.memref_squeeze %dma_start3A_262 : memref<1x1280xi32, #tpu.memory_space<vmem>> -> memref<1280xi32, #tpu.memory_space<vmem>>
          %dma_start3A_264 = tpu.memref_slice %arg3[%mul3A_246] : memref<1600000xi32, #tpu.memory_space<hbm>> -> memref<1280xi32, #tpu.memory_space<hbm>>
          tpu.enqueue_dma source(%dma_start3A_264 : memref<1280xi32, #tpu.memory_space<hbm>>) target(%dma_start3A_263 : memref<1280xi32, #tpu.memory_space<vmem>>) target_semaphore(%arg11 : memref<!tpu.dma_semaphore, #tpu.memory_space<semaphore_mem>>)
          %dma_start3A_265 = arith.constant 1 : i32
          %dma_start3A_266 = arith.constant 0 : i32
          %dma_start3A_267 = arith.constant 0 : i32
          %dma_start3A_268 = tpu.memref_slice %arg9[%dma_start3A_265, %dma_start3A_266, %dma_start3A_267] : memref<2x16x1280xf32, #tpu.memory_space<vmem>> -> memref<1x16x1280xf32, #tpu.memory_space<vmem>>
          %dma_start3A_269 = tpu.memref_squeeze %dma_start3A_268 : memref<1x16x1280xf32, #tpu.memory_space<vmem>> -> memref<16x1280xf32, #tpu.memory_space<vmem>>
          %dma_start3A_270 = arith.constant 0 : i32
          %dma_start3A_271 = tpu.memref_slice %arg4[%dma_start3A_270, %mul3A_246] : memref<16x1600000xf32, #tpu.memory_space<hbm>> -> memref<16x1280xf32, #tpu.memory_space<hbm>>
          %dma_start3A_272 = arith.constant 0 : i32
          %dma_start3A_273 = arith.constant 0 : i32
          %dma_start3A_274 = tpu.memref_slice %arg9[%dma_start3A_265, %dma_start3A_272, %dma_start3A_273] : memref<2x16x1280xf32, #tpu.memory_space<vmem>> -> memref<1x16x1280xf32, #tpu.memory_space<vmem>>
          %dma_start3A_275 = tpu.memref_squeeze %dma_start3A_274 : memref<1x16x1280xf32, #tpu.memory_space<vmem>> -> memref<16x1280xf32, #tpu.memory_space<vmem>>
          %dma_start3A_276 = arith.constant 0 : i32
          %dma_start3A_277 = tpu.memref_slice %arg4[%dma_start3A_276, %mul3A_246] : memref<16x1600000xf32, #tpu.memory_space<hbm>> -> memref<16x1280xf32, #tpu.memory_space<hbm>>
          tpu.enqueue_dma source(%dma_start3A_277 : memref<16x1280xf32, #tpu.memory_space<hbm>>) target(%dma_start3A_275 : memref<16x1280xf32, #tpu.memory_space<vmem>>) target_semaphore(%arg11 : memref<!tpu.dma_semaphore, #tpu.memory_space<semaphore_mem>>)
        } else {
        }
        %mul3A_164 = arith.constant 32 : i32
        %mul3A_165 = arith.muli %add3A_136, %mul3A_164 : i32
        %add3A_166 = arith.addi %add3A, %mul3A_165 : i32
        %mul3A_167 = arith.constant 1280 : i32
        %mul3A_168 = arith.muli %add3A_166, %mul3A_167 : i32
        %dma_wait3A = arith.constant 0 : i32
        %dma_wait3A_169 = arith.constant 0 : i32
        %dma_wait3A_170 = tpu.memref_slice %arg6[%dma_wait3A, %dma_wait3A_169] : memref<2x1280xi32, #tpu.memory_space<vmem>> -> memref<1x1280xi32, #tpu.memory_space<vmem>>
        %dma_wait3A_171 = tpu.memref_squeeze %dma_wait3A_170 : memref<1x1280xi32, #tpu.memory_space<vmem>> -> memref<1280xi32, #tpu.memory_space<vmem>>
        %dma_wait3A_172 = tpu.memref_slice %arg2[%mul3A_168] : memref<1600000xi32, #tpu.memory_space<hbm>> -> memref<1280xi32, #tpu.memory_space<hbm>>
        %dma_wait3A_173 = arith.constant 0 : i32
        %dma_wait3A_174 = tpu.memref_slice %arg6[%dma_wait3A, %dma_wait3A_173] : memref<2x1280xi32, #tpu.memory_space<vmem>> -> memref<1x1280xi32, #tpu.memory_space<vmem>>
        %dma_wait3A_175 = tpu.memref_squeeze %dma_wait3A_174 : memref<1x1280xi32, #tpu.memory_space<vmem>> -> memref<1280xi32, #tpu.memory_space<vmem>>
        %dma_wait3A_176 = tpu.memref_slice %arg2[%mul3A_168] : memref<1600000xi32, #tpu.memory_space<hbm>> -> memref<1280xi32, #tpu.memory_space<hbm>>
        tpu.wait_dma2 semaphore(%arg10 : memref<!tpu.dma_semaphore, #tpu.memory_space<semaphore_mem>>) src(%dma_wait3A_176 : memref<1280xi32, #tpu.memory_space<hbm>>) dst(%dma_wait3A_175 : memref<1280xi32, #tpu.memory_space<vmem>>)
        %dma_wait3A_177 = arith.constant 0 : i32
        %dma_wait3A_178 = arith.constant 0 : i32
        %dma_wait3A_179 = tpu.memref_slice %arg7[%dma_wait3A_177, %dma_wait3A_178] : memref<2x1280xi32, #tpu.memory_space<vmem>> -> memref<1x1280xi32, #tpu.memory_space<vmem>>
        %dma_wait3A_180 = tpu.memref_squeeze %dma_wait3A_179 : memref<1x1280xi32, #tpu.memory_space<vmem>> -> memref<1280xi32, #tpu.memory_space<vmem>>
        %dma_wait3A_181 = tpu.memref_slice %arg3[%mul3A_168] : memref<1600000xi32, #tpu.memory_space<hbm>> -> memref<1280xi32, #tpu.memory_space<hbm>>
        %dma_wait3A_182 = arith.constant 0 : i32
        %dma_wait3A_183 = tpu.memref_slice %arg7[%dma_wait3A_177, %dma_wait3A_182] : memref<2x1280xi32, #tpu.memory_space<vmem>> -> memref<1x1280xi32, #tpu.memory_space<vmem>>
        %dma_wait3A_184 = tpu.memref_squeeze %dma_wait3A_183 : memref<1x1280xi32, #tpu.memory_space<vmem>> -> memref<1280xi32, #tpu.memory_space<vmem>>
        %dma_wait3A_185 = tpu.memref_slice %arg3[%mul3A_168] : memref<1600000xi32, #tpu.memory_space<hbm>> -> memref<1280xi32, #tpu.memory_space<hbm>>
        tpu.wait_dma2 semaphore(%arg10 : memref<!tpu.dma_semaphore, #tpu.memory_space<semaphore_mem>>) src(%dma_wait3A_185 : memref<1280xi32, #tpu.memory_space<hbm>>) dst(%dma_wait3A_184 : memref<1280xi32, #tpu.memory_space<vmem>>)
        %dma_wait3A_186 = arith.constant 0 : i32
        %dma_wait3A_187 = arith.constant 0 : i32
        %dma_wait3A_188 = arith.constant 0 : i32
        %dma_wait3A_189 = tpu.memref_slice %arg9[%dma_wait3A_186, %dma_wait3A_187, %dma_wait3A_188] : memref<2x16x1280xf32, #tpu.memory_space<vmem>> -> memref<1x16x1280xf32, #tpu.memory_space<vmem>>
        %dma_wait3A_190 = tpu.memref_squeeze %dma_wait3A_189 : memref<1x16x1280xf32, #tpu.memory_space<vmem>> -> memref<16x1280xf32, #tpu.memory_space<vmem>>
        %dma_wait3A_191 = arith.constant 0 : i32
        %dma_wait3A_192 = tpu.memref_slice %arg4[%dma_wait3A_191, %mul3A_168] : memref<16x1600000xf32, #tpu.memory_space<hbm>> -> memref<16x1280xf32, #tpu.memory_space<hbm>>
        %dma_wait3A_193 = arith.constant 0 : i32
        %dma_wait3A_194 = arith.constant 0 : i32
        %dma_wait3A_195 = tpu.memref_slice %arg9[%dma_wait3A_186, %dma_wait3A_193, %dma_wait3A_194] : memref<2x16x1280xf32, #tpu.memory_space<vmem>> -> memref<1x16x1280xf32, #tpu.memory_space<vmem>>
        %dma_wait3A_196 = tpu.memref_squeeze %dma_wait3A_195 : memref<1x16x1280xf32, #tpu.memory_space<vmem>> -> memref<16x1280xf32, #tpu.memory_space<vmem>>
        %dma_wait3A_197 = arith.constant 0 : i32
        %dma_wait3A_198 = tpu.memref_slice %arg4[%dma_wait3A_197, %mul3A_168] : memref<16x1600000xf32, #tpu.memory_space<hbm>> -> memref<16x1280xf32, #tpu.memory_space<hbm>>
        tpu.wait_dma2 semaphore(%arg10 : memref<!tpu.dma_semaphore, #tpu.memory_space<semaphore_mem>>) src(%dma_wait3A_198 : memref<16x1280xf32, #tpu.memory_space<hbm>>) dst(%dma_wait3A_196 : memref<16x1280xf32, #tpu.memory_space<vmem>>)
        %scan3A_199 = arith.constant 0 : i32
        %scan3A_200 = arith.constant 0 : i32
        %scan3A_201 = arith.constant 80 : i32
        %scan3A_202 = arith.addi %scan3A_200, %scan3A_201 : i32
        %scan3A_203 = arith.constant 1 : i32
        scf.for %scan3A_235 = %scan3A_200 to %scan3A_202 step %scan3A_203  : i32 {
          %mul3A_236 = arith.constant 16 : i32
          %mul3A_237 = arith.muli %scan3A_235, %mul3A_236 : i32
          %get3A = arith.constant 0 : i32
          %get3A_238 = arith.index_cast %get3A : i32 to index
          %get3A_239 = arith.index_cast %mul3A_237 : i32 to index
          %get3A_240 = tpu.vector_load %arg6[%get3A_238, %get3A_239] {strides = array<i32>} : memref<2x1280xi32, #tpu.memory_space<vmem>>, vector<16xi32>,
          %get3A_241 = arith.constant 0 : i32
          %get3A_242 = arith.index_cast %get3A_241 : i32 to index
          %get3A_243 = arith.index_cast %mul3A_237 : i32 to index
          %get3A_244 = tpu.vector_load %arg7[%get3A_242, %get3A_243] {strides = array<i32>} : memref<2x1280xi32, #tpu.memory_space<vmem>>, vector<16xi32>,
          %sub3A_245 = arith.subi %get3A_240, %get3A_244 : vector<16xi32>
          %add3A_246 = arith.constant 1 : i32
          %add3A_247 = vector.broadcast %add3A_246 : i32 to vector<16xi32>
          %add3A_248 = arith.addi %sub3A_245, %add3A_247 : vector<16xi32>
          %add3A_249 = arith.constant 5 : i32
          %add3A_250 = vector.broadcast %add3A_249 : i32 to vector<16xi32>
          %add3A_251 = arith.addi %add3A_248, %add3A_250 : vector<16xi32>
          %jit3A_252 = arith.constant 0 : i32
          %jit3A_253 = arith.constant 6 : i32
          %max3A = vector.broadcast %jit3A_252 : i32 to vector<16xi32>
          %max3A_254 = arith.maxsi %max3A, %add3A_251 : vector<16xi32>
          %min3A = vector.broadcast %jit3A_253 : i32 to vector<16xi32>
          %min3A_255 = arith.minsi %min3A, %max3A_254 : vector<16xi32>
          %add3A_256 = arith.constant 10 : i32
          %add3A_257 = vector.broadcast %add3A_256 : i32 to vector<16xi32>
          %add3A_258 = arith.addi %add3A_248, %add3A_257 : vector<16xi32>
          %jit3A_259 = arith.constant 0 : i32
          %jit3A_260 = arith.constant 1 : i32
          %max3A_261 = vector.broadcast %jit3A_259 : i32 to vector<16xi32>
          %max3A_262 = arith.maxsi %max3A_261, %add3A_258 : vector<16xi32>
          %min3A_263 = vector.broadcast %jit3A_260 : i32 to vector<16xi32>
          %min3A_264 = arith.minsi %min3A_263, %max3A_262 : vector<16xi32>
          %add3A_265 = arith.addi %min3A_255, %min3A_264 : vector<16xi32>
          %sub3A_266 = arith.constant 6 : i32
          %sub3A_267 = vector.broadcast %sub3A_266 : i32 to vector<16xi32>
          %sub3A_268 = arith.subi %sub3A_267, %add3A_265 : vector<16xi32>
          %eq3A_269 = arith.constant 0 : i32
          %eq3A_270 = vector.broadcast %eq3A_269 : i32 to vector<16xi32>
          %eq3A_271 = arith.cmpi eq, %sub3A_268, %eq3A_270 : vector<16xi32>
          %jit3A_272 = arith.constant 1.000000e+00 : f32
          %jit3A_273 = arith.constant 0.000000e+00 : f32
          %broadcast_in_dim3A = vector.broadcast %jit3A_272 : f32 to vector<16xf32>
          %broadcast_in_dim3A_274 = vector.broadcast %jit3A_273 : f32 to vector<16xf32>
          %select_n3A_275 = arith.select %eq3A_271, %broadcast_in_dim3A, %broadcast_in_dim3A_274 : vector<16xi1>, vector<16xf32>
          %swap3A = arith.constant 0 : i32
          %swap3A_276 = arith.constant 0 : i32
          %swap3A_277 = arith.index_cast %swap3A : i32 to index
          %swap3A_278 = arith.index_cast %swap3A_276 : i32 to index
          %swap3A_279 = arith.index_cast %mul3A_237 : i32 to index
          %swap3A_280 = tpu.vector_load %arg8[%swap3A_277, %swap3A_278, %swap3A_279] {strides = array<i32>} : memref<2x7x1280xf32, #tpu.memory_space<vmem>>, vector<16xf32>,
          tpu.vector_store %arg8[%swap3A_277, %swap3A_278, %swap3A_279], %select_n3A_275 {strides = array<i32>} : memref<2x7x1280xf32, #tpu.memory_space<vmem>>, vector<16xf32>,
          %eq3A_281 = arith.constant 1 : i32
          %eq3A_282 = vector.broadcast %eq3A_281 : i32 to vector<16xi32>
          %eq3A_283 = arith.cmpi eq, %sub3A_268, %eq3A_282 : vector<16xi32>
          %jit3A_284 = arith.constant 1.000000e+00 : f32
          %jit3A_285 = arith.constant 0.000000e+00 : f32
          %broadcast_in_dim3A_286 = vector.broadcast %jit3A_284 : f32 to vector<16xf32>
          %broadcast_in_dim3A_287 = vector.broadcast %jit3A_285 : f32 to vector<16xf32>
          %select_n3A_288 = arith.select %eq3A_283, %broadcast_in_dim3A_286, %broadcast_in_dim3A_287 : vector<16xi1>, vector<16xf32>
          %swap3A_289 = arith.constant 0 : i32
          %swap3A_290 = arith.constant 1 : i32
          %swap3A_291 = arith.index_cast %swap3A_289 : i32 to index
          %swap3A_292 = arith.index_cast %swap3A_290 : i32 to index
          %swap3A_293 = arith.index_cast %mul3A_237 : i32 to index
          %swap3A_294 = tpu.vector_load %arg8[%swap3A_291, %swap3A_292, %swap3A_293] {strides = array<i32>} : memref<2x7x1280xf32, #tpu.memory_space<vmem>>, vector<16xf32>,
          tpu.vector_store %arg8[%swap3A_291, %swap3A_292, %swap3A_293], %select_n3A_288 {strides = array<i32>} : memref<2x7x1280xf32, #tpu.memory_space<vmem>>, vector<16xf32>,
          %eq3A_295 = arith.constant 2 : i32
          %eq3A_296 = vector.broadcast %eq3A_295 : i32 to vector<16xi32>
          %eq3A_297 = arith.cmpi eq, %sub3A_268, %eq3A_296 : vector<16xi32>
          %jit3A_298 = arith.constant 1.000000e+00 : f32
          %jit3A_299 = arith.constant 0.000000e+00 : f32
          %broadcast_in_dim3A_300 = vector.broadcast %jit3A_298 : f32 to vector<16xf32>
          %broadcast_in_dim3A_301 = vector.broadcast %jit3A_299 : f32 to vector<16xf32>
          %select_n3A_302 = arith.select %eq3A_297, %broadcast_in_dim3A_300, %broadcast_in_dim3A_301 : vector<16xi1>, vector<16xf32>
          %swap3A_303 = arith.constant 0 : i32
          %swap3A_304 = arith.constant 2 : i32
          %swap3A_305 = arith.index_cast %swap3A_303 : i32 to index
          %swap3A_306 = arith.index_cast %swap3A_304 : i32 to index
          %swap3A_307 = arith.index_cast %mul3A_237 : i32 to index
          %swap3A_308 = tpu.vector_load %arg8[%swap3A_305, %swap3A_306, %swap3A_307] {strides = array<i32>} : memref<2x7x1280xf32, #tpu.memory_space<vmem>>, vector<16xf32>,
          tpu.vector_store %arg8[%swap3A_305, %swap3A_306, %swap3A_307], %select_n3A_302 {strides = array<i32>} : memref<2x7x1280xf32, #tpu.memory_space<vmem>>, vector<16xf32>,
          %eq3A_309 = arith.constant 3 : i32
          %eq3A_310 = vector.broadcast %eq3A_309 : i32 to vector<16xi32>
          %eq3A_311 = arith.cmpi eq, %sub3A_268, %eq3A_310 : vector<16xi32>
          %jit3A_312 = arith.constant 1.000000e+00 : f32
          %jit3A_313 = arith.constant 0.000000e+00 : f32
          %broadcast_in_dim3A_314 = vector.broadcast %jit3A_312 : f32 to vector<16xf32>
          %broadcast_in_dim3A_315 = vector.broadcast %jit3A_313 : f32 to vector<16xf32>
          %select_n3A_316 = arith.select %eq3A_311, %broadcast_in_dim3A_314, %broadcast_in_dim3A_315 : vector<16xi1>, vector<16xf32>
          %swap3A_317 = arith.constant 0 : i32
          %swap3A_318 = arith.constant 3 : i32
          %swap3A_319 = arith.index_cast %swap3A_317 : i32 to index
          %swap3A_320 = arith.index_cast %swap3A_318 : i32 to index
          %swap3A_321 = arith.index_cast %mul3A_237 : i32 to index
          %swap3A_322 = tpu.vector_load %arg8[%swap3A_319, %swap3A_320, %swap3A_321] {strides = array<i32>} : memref<2x7x1280xf32, #tpu.memory_space<vmem>>, vector<16xf32>,
          tpu.vector_store %arg8[%swap3A_319, %swap3A_320, %swap3A_321], %select_n3A_316 {strides = array<i32>} : memref<2x7x1280xf32, #tpu.memory_space<vmem>>, vector<16xf32>,
          %eq3A_323 = arith.constant 4 : i32
          %eq3A_324 = vector.broadcast %eq3A_323 : i32 to vector<16xi32>
          %eq3A_325 = arith.cmpi eq, %sub3A_268, %eq3A_324 : vector<16xi32>
          %jit3A_326 = arith.constant 1.000000e+00 : f32
          %jit3A_327 = arith.constant 0.000000e+00 : f32
          %broadcast_in_dim3A_328 = vector.broadcast %jit3A_326 : f32 to vector<16xf32>
          %broadcast_in_dim3A_329 = vector.broadcast %jit3A_327 : f32 to vector<16xf32>
          %select_n3A_330 = arith.select %eq3A_325, %broadcast_in_dim3A_328, %broadcast_in_dim3A_329 : vector<16xi1>, vector<16xf32>
          %swap3A_331 = arith.constant 0 : i32
          %swap3A_332 = arith.constant 4 : i32
          %swap3A_333 = arith.index_cast %swap3A_331 : i32 to index
          %swap3A_334 = arith.index_cast %swap3A_332 : i32 to index
          %swap3A_335 = arith.index_cast %mul3A_237 : i32 to index
          %swap3A_336 = tpu.vector_load %arg8[%swap3A_333, %swap3A_334, %swap3A_335] {strides = array<i32>} : memref<2x7x1280xf32, #tpu.memory_space<vmem>>, vector<16xf32>,
          tpu.vector_store %arg8[%swap3A_333, %swap3A_334, %swap3A_335], %select_n3A_330 {strides = array<i32>} : memref<2x7x1280xf32, #tpu.memory_space<vmem>>, vector<16xf32>,
          %eq3A_337 = arith.constant 5 : i32
          %eq3A_338 = vector.broadcast %eq3A_337 : i32 to vector<16xi32>
          %eq3A_339 = arith.cmpi eq, %sub3A_268, %eq3A_338 : vector<16xi32>
          %jit3A_340 = arith.constant 1.000000e+00 : f32
          %jit3A_341 = arith.constant 0.000000e+00 : f32
          %broadcast_in_dim3A_342 = vector.broadcast %jit3A_340 : f32 to vector<16xf32>
          %broadcast_in_dim3A_343 = vector.broadcast %jit3A_341 : f32 to vector<16xf32>
          %select_n3A_344 = arith.select %eq3A_339, %broadcast_in_dim3A_342, %broadcast_in_dim3A_343 : vector<16xi1>, vector<16xf32>
          %swap3A_345 = arith.constant 0 : i32
          %swap3A_346 = arith.constant 5 : i32
          %swap3A_347 = arith.index_cast %swap3A_345 : i32 to index
          %swap3A_348 = arith.index_cast %swap3A_346 : i32 to index
          %swap3A_349 = arith.index_cast %mul3A_237 : i32 to index
          %swap3A_350 = tpu.vector_load %arg8[%swap3A_347, %swap3A_348, %swap3A_349] {strides = array<i32>} : memref<2x7x1280xf32, #tpu.memory_space<vmem>>, vector<16xf32>,
          tpu.vector_store %arg8[%swap3A_347, %swap3A_348, %swap3A_349], %select_n3A_344 {strides = array<i32>} : memref<2x7x1280xf32, #tpu.memory_space<vmem>>, vector<16xf32>,
          %eq3A_351 = arith.constant 6 : i32
          %eq3A_352 = vector.broadcast %eq3A_351 : i32 to vector<16xi32>
          %eq3A_353 = arith.cmpi eq, %sub3A_268, %eq3A_352 : vector<16xi32>
          %jit3A_354 = arith.constant 1.000000e+00 : f32
          %jit3A_355 = arith.constant 0.000000e+00 : f32
          %broadcast_in_dim3A_356 = vector.broadcast %jit3A_354 : f32 to vector<16xf32>
          %broadcast_in_dim3A_357 = vector.broadcast %jit3A_355 : f32 to vector<16xf32>
          %select_n3A_358 = arith.select %eq3A_353, %broadcast_in_dim3A_356, %broadcast_in_dim3A_357 : vector<16xi1>, vector<16xf32>
          %swap3A_359 = arith.constant 0 : i32
          %swap3A_360 = arith.constant 6 : i32
          %swap3A_361 = arith.index_cast %swap3A_359 : i32 to index
          %swap3A_362 = arith.index_cast %swap3A_360 : i32 to index
          %swap3A_363 = arith.index_cast %mul3A_237 : i32 to index
          %swap3A_364 = tpu.vector_load %arg8[%swap3A_361, %swap3A_362, %swap3A_363] {strides = array<i32>} : memref<2x7x1280xf32, #tpu.memory_space<vmem>>, vector<16xf32>,
          tpu.vector_store %arg8[%swap3A_361, %swap3A_362, %swap3A_363], %select_n3A_358 {strides = array<i32>} : memref<2x7x1280xf32, #tpu.memory_space<vmem>>, vector<16xf32>,
        }
        %scan3A_204 = arith.constant 80 : i32
        %mul3A_205 = arith.constant 32 : i32
        %mul3A_206 = arith.muli %add3A_136, %mul3A_205 : i32
        %add3A_207 = arith.addi %add3A, %mul3A_206 : i32
        %mul3A_208 = arith.constant 1280 : i32
        %mul3A_209 = arith.muli %add3A_207, %mul3A_208 : i32
        %dma_start3A = arith.constant 0 : i32
        %dma_start3A_210 = arith.constant 0 : i32
        %dma_start3A_211 = arith.constant 0 : i32
        %dma_start3A_212 = tpu.memref_slice %arg8[%dma_start3A, %dma_start3A_210, %dma_start3A_211] : memref<2x7x1280xf32, #tpu.memory_space<vmem>> -> memref<1x7x1280xf32, #tpu.memory_space<vmem>>
        %dma_start3A_213 = tpu.memref_squeeze %dma_start3A_212 : memref<1x7x1280xf32, #tpu.memory_space<vmem>> -> memref<7x1280xf32, #tpu.memory_space<vmem>>
        %dma_start3A_214 = arith.constant 16 : i32
        %dma_start3A_215 = tpu.memref_slice %arg5[%dma_start3A_214, %mul3A_209] : memref<23x1600000xf32, #tpu.memory_space<hbm>> -> memref<7x1280xf32, #tpu.memory_space<hbm>>
        %dma_start3A_216 = arith.constant 16 : i32
        %dma_start3A_217 = tpu.memref_slice %arg5[%dma_start3A_216, %mul3A_209] : memref<23x1600000xf32, #tpu.memory_space<hbm>> -> memref<7x1280xf32, #tpu.memory_space<hbm>>
        %dma_start3A_218 = arith.constant 0 : i32
        %dma_start3A_219 = arith.constant 0 : i32
        %dma_start3A_220 = tpu.memref_slice %arg8[%dma_start3A, %dma_start3A_218, %dma_start3A_219] : memref<2x7x1280xf32, #tpu.memory_space<vmem>> -> memref<1x7x1280xf32, #tpu.memory_space<vmem>>
        %dma_start3A_221 = tpu.memref_squeeze %dma_start3A_220 : memref<1x7x1280xf32, #tpu.memory_space<vmem>> -> memref<7x1280xf32, #tpu.memory_space<vmem>>
        tpu.enqueue_dma source(%dma_start3A_221 : memref<7x1280xf32, #tpu.memory_space<vmem>>) target(%dma_start3A_217 : memref<7x1280xf32, #tpu.memory_space<hbm>>) target_semaphore(%arg12 : memref<!tpu.dma_semaphore, #tpu.memory_space<semaphore_mem>>)
        %dma_start3A_222 = arith.constant 0 : i32
        %dma_start3A_223 = arith.constant 0 : i32
        %dma_start3A_224 = arith.constant 0 : i32
        %dma_start3A_225 = tpu.memref_slice %arg9[%dma_start3A_222, %dma_start3A_223, %dma_start3A_224] : memref<2x16x1280xf32, #tpu.memory_space<vmem>> -> memref<1x16x1280xf32, #tpu.memory_space<vmem>>
        %dma_start3A_226 = tpu.memref_squeeze %dma_start3A_225 : memref<1x16x1280xf32, #tpu.memory_space<vmem>> -> memref<16x1280xf32, #tpu.memory_space<vmem>>
        %dma_start3A_227 = arith.constant 0 : i32
        %dma_start3A_228 = tpu.memref_slice %arg5[%dma_start3A_227, %mul3A_209] : memref<23x1600000xf32, #tpu.memory_space<hbm>> -> memref<16x1280xf32, #tpu.memory_space<hbm>>
        %dma_start3A_229 = arith.constant 0 : i32
        %dma_start3A_230 = tpu.memref_slice %arg5[%dma_start3A_229, %mul3A_209] : memref<23x1600000xf32, #tpu.memory_space<hbm>> -> memref<16x1280xf32, #tpu.memory_space<hbm>>
        %dma_start3A_231 = arith.constant 0 : i32
        %dma_start3A_232 = arith.constant 0 : i32
        %dma_start3A_233 = tpu.memref_slice %arg9[%dma_start3A_222, %dma_start3A_231, %dma_start3A_232] : memref<2x16x1280xf32, #tpu.memory_space<vmem>> -> memref<1x16x1280xf32, #tpu.memory_space<vmem>>
        %dma_start3A_234 = tpu.memref_squeeze %dma_start3A_233 : memref<1x16x1280xf32, #tpu.memory_space<vmem>> -> memref<16x1280xf32, #tpu.memory_space<vmem>>
        tpu.enqueue_dma source(%dma_start3A_234 : memref<16x1280xf32, #tpu.memory_space<vmem>>) target(%dma_start3A_230 : memref<16x1280xf32, #tpu.memory_space<hbm>>) target_semaphore(%arg12 : memref<!tpu.dma_semaphore, #tpu.memory_space<semaphore_mem>>)
      } else {
      }
      %mul3A_145 = arith.constant 2 : i32
      %mul3A_146 = arith.muli %scan3A_132, %mul3A_145 : i32
      %add3A_147 = arith.constant 1 : i32
      %add3A_148 = arith.addi %mul3A_146, %add3A_147 : i32
      %mul3A_149 = arith.constant 32 : i32
      %mul3A_150 = arith.muli %add3A_148, %mul3A_149 : i32
      %add3A_151 = arith.addi %add3A, %mul3A_150 : i32
      %lt3A_152 = arith.constant 1250 : i32
      %lt3A_153 = arith.cmpi slt, %add3A_151, %lt3A_152 : i32
      %convert_element_type3A_154 = arith.extui %lt3A_153 : i1 to i32
      %cond3A_155 = arith.constant 0 : i32
      %cond3A_156 = arith.cmpi ne, %convert_element_type3A_154, %cond3A_155 : i32
      scf.if %cond3A_156 {
        %add3A_157 = arith.constant 32 : i32
        %add3A_158 = arith.addi %add3A_151, %add3A_157 : i32
        %lt3A_159 = arith.constant 1250 : i32
        %lt3A_160 = arith.cmpi slt, %add3A_158, %lt3A_159 : i32
        %convert_element_type3A_161 = arith.extui %lt3A_160 : i1 to i32
        %cond3A_162 = arith.constant 0 : i32
        %cond3A_163 = arith.cmpi ne, %convert_element_type3A_161, %cond3A_162 : i32
        scf.if %cond3A_163 {
          %sub3A_235 = arith.constant 1 : i32
          %sub3A_236 = arith.subi %add3A_148, %sub3A_235 : i32
          %mul3A_237 = arith.constant 32 : i32
          %mul3A_238 = arith.muli %sub3A_236, %mul3A_237 : i32
          %add3A_239 = arith.addi %add3A, %mul3A_238 : i32
          %mul3A_240 = arith.constant 1280 : i32
          %mul3A_241 = arith.muli %add3A_239, %mul3A_240 : i32
          %dma_wait3A_242 = arith.constant 0 : i32
          %dma_wait3A_243 = arith.constant 0 : i32
          %dma_wait3A_244 = arith.constant 0 : i32
          %dma_wait3A_245 = tpu.memref_slice %arg8[%dma_wait3A_242, %dma_wait3A_243, %dma_wait3A_244] : memref<2x7x1280xf32, #tpu.memory_space<vmem>> -> memref<1x7x1280xf32, #tpu.memory_space<vmem>>
          %dma_wait3A_246 = tpu.memref_squeeze %dma_wait3A_245 : memref<1x7x1280xf32, #tpu.memory_space<vmem>> -> memref<7x1280xf32, #tpu.memory_space<vmem>>
          %dma_wait3A_247 = arith.constant 16 : i32
          %dma_wait3A_248 = tpu.memref_slice %arg5[%dma_wait3A_247, %mul3A_241] : memref<23x1600000xf32, #tpu.memory_space<hbm>> -> memref<7x1280xf32, #tpu.memory_space<hbm>>
          %dma_wait3A_249 = arith.constant 16 : i32
          %dma_wait3A_250 = tpu.memref_slice %arg5[%dma_wait3A_249, %mul3A_241] : memref<23x1600000xf32, #tpu.memory_space<hbm>> -> memref<7x1280xf32, #tpu.memory_space<hbm>>
          %dma_wait3A_251 = arith.constant 0 : i32
          %dma_wait3A_252 = arith.constant 0 : i32
          %dma_wait3A_253 = tpu.memref_slice %arg8[%dma_wait3A_242, %dma_wait3A_251, %dma_wait3A_252] : memref<2x7x1280xf32, #tpu.memory_space<vmem>> -> memref<1x7x1280xf32, #tpu.memory_space<vmem>>
          %dma_wait3A_254 = tpu.memref_squeeze %dma_wait3A_253 : memref<1x7x1280xf32, #tpu.memory_space<vmem>> -> memref<7x1280xf32, #tpu.memory_space<vmem>>
          tpu.wait_dma2 semaphore(%arg12 : memref<!tpu.dma_semaphore, #tpu.memory_space<semaphore_mem>>) src(%dma_wait3A_254 : memref<7x1280xf32, #tpu.memory_space<vmem>>) dst(%dma_wait3A_250 : memref<7x1280xf32, #tpu.memory_space<hbm>>)
          %dma_wait3A_255 = arith.constant 0 : i32
          %dma_wait3A_256 = arith.constant 0 : i32
          %dma_wait3A_257 = arith.constant 0 : i32
          %dma_wait3A_258 = tpu.memref_slice %arg9[%dma_wait3A_255, %dma_wait3A_256, %dma_wait3A_257] : memref<2x16x1280xf32, #tpu.memory_space<vmem>> -> memref<1x16x1280xf32, #tpu.memory_space<vmem>>
          %dma_wait3A_259 = tpu.memref_squeeze %dma_wait3A_258 : memref<1x16x1280xf32, #tpu.memory_space<vmem>> -> memref<16x1280xf32, #tpu.memory_space<vmem>>
          %dma_wait3A_260 = arith.constant 0 : i32
          %dma_wait3A_261 = tpu.memref_slice %arg5[%dma_wait3A_260, %mul3A_241] : memref<23x1600000xf32, #tpu.memory_space<hbm>> -> memref<16x1280xf32, #tpu.memory_space<hbm>>
          %dma_wait3A_262 = arith.constant 0 : i32
          %dma_wait3A_263 = tpu.memref_slice %arg5[%dma_wait3A_262, %mul3A_241] : memref<23x1600000xf32, #tpu.memory_space<hbm>> -> memref<16x1280xf32, #tpu.memory_space<hbm>>
          %dma_wait3A_264 = arith.constant 0 : i32
          %dma_wait3A_265 = arith.constant 0 : i32
          %dma_wait3A_266 = tpu.memref_slice %arg9[%dma_wait3A_255, %dma_wait3A_264, %dma_wait3A_265] : memref<2x16x1280xf32, #tpu.memory_space<vmem>> -> memref<1x16x1280xf32, #tpu.memory_space<vmem>>
          %dma_wait3A_267 = tpu.memref_squeeze %dma_wait3A_266 : memref<1x16x1280xf32, #tpu.memory_space<vmem>> -> memref<16x1280xf32, #tpu.memory_space<vmem>>
          tpu.wait_dma2 semaphore(%arg12 : memref<!tpu.dma_semaphore, #tpu.memory_space<semaphore_mem>>) src(%dma_wait3A_267 : memref<16x1280xf32, #tpu.memory_space<vmem>>) dst(%dma_wait3A_263 : memref<16x1280xf32, #tpu.memory_space<hbm>>)
          %add3A_268 = arith.constant 1 : i32
          %add3A_269 = arith.addi %add3A_148, %add3A_268 : i32
          %mul3A_270 = arith.constant 32 : i32
          %mul3A_271 = arith.muli %add3A_269, %mul3A_270 : i32
          %add3A_272 = arith.addi %add3A, %mul3A_271 : i32
          %mul3A_273 = arith.constant 1280 : i32
          %mul3A_274 = arith.muli %add3A_272, %mul3A_273 : i32
          %dma_start3A_275 = arith.constant 0 : i32
          %dma_start3A_276 = arith.constant 0 : i32
          %dma_start3A_277 = tpu.memref_slice %arg6[%dma_start3A_275, %dma_start3A_276] : memref<2x1280xi32, #tpu.memory_space<vmem>> -> memref<1x1280xi32, #tpu.memory_space<vmem>>
          %dma_start3A_278 = tpu.memref_squeeze %dma_start3A_277 : memref<1x1280xi32, #tpu.memory_space<vmem>> -> memref<1280xi32, #tpu.memory_space<vmem>>
          %dma_start3A_279 = tpu.memref_slice %arg2[%mul3A_274] : memref<1600000xi32, #tpu.memory_space<hbm>> -> memref<1280xi32, #tpu.memory_space<hbm>>
          %dma_start3A_280 = arith.constant 0 : i32
          %dma_start3A_281 = tpu.memref_slice %arg6[%dma_start3A_275, %dma_start3A_280] : memref<2x1280xi32, #tpu.memory_space<vmem>> -> memref<1x1280xi32, #tpu.memory_space<vmem>>
          %dma_start3A_282 = tpu.memref_squeeze %dma_start3A_281 : memref<1x1280xi32, #tpu.memory_space<vmem>> -> memref<1280xi32, #tpu.memory_space<vmem>>
          %dma_start3A_283 = tpu.memref_slice %arg2[%mul3A_274] : memref<1600000xi32, #tpu.memory_space<hbm>> -> memref<1280xi32, #tpu.memory_space<hbm>>
          tpu.enqueue_dma source(%dma_start3A_283 : memref<1280xi32, #tpu.memory_space<hbm>>) target(%dma_start3A_282 : memref<1280xi32, #tpu.memory_space<vmem>>) target_semaphore(%arg10 : memref<!tpu.dma_semaphore, #tpu.memory_space<semaphore_mem>>)
          %dma_start3A_284 = arith.constant 0 : i32
          %dma_start3A_285 = arith.constant 0 : i32
          %dma_start3A_286 = tpu.memref_slice %arg7[%dma_start3A_284, %dma_start3A_285] : memref<2x1280xi32, #tpu.memory_space<vmem>> -> memref<1x1280xi32, #tpu.memory_space<vmem>>
          %dma_start3A_287 = tpu.memref_squeeze %dma_start3A_286 : memref<1x1280xi32, #tpu.memory_space<vmem>> -> memref<1280xi32, #tpu.memory_space<vmem>>
          %dma_start3A_288 = tpu.memref_slice %arg3[%mul3A_274] : memref<1600000xi32, #tpu.memory_space<hbm>> -> memref<1280xi32, #tpu.memory_space<hbm>>
          %dma_start3A_289 = arith.constant 0 : i32
          %dma_start3A_290 = tpu.memref_slice %arg7[%dma_start3A_284, %dma_start3A_289] : memref<2x1280xi32, #tpu.memory_space<vmem>> -> memref<1x1280xi32, #tpu.memory_space<vmem>>
          %dma_start3A_291 = tpu.memref_squeeze %dma_start3A_290 : memref<1x1280xi32, #tpu.memory_space<vmem>> -> memref<1280xi32, #tpu.memory_space<vmem>>
          %dma_start3A_292 = tpu.memref_slice %arg3[%mul3A_274] : memref<1600000xi32, #tpu.memory_space<hbm>> -> memref<1280xi32, #tpu.memory_space<hbm>>
          tpu.enqueue_dma source(%dma_start3A_292 : memref<1280xi32, #tpu.memory_space<hbm>>) target(%dma_start3A_291 : memref<1280xi32, #tpu.memory_space<vmem>>) target_semaphore(%arg10 : memref<!tpu.dma_semaphore, #tpu.memory_space<semaphore_mem>>)
          %dma_start3A_293 = arith.constant 0 : i32
          %dma_start3A_294 = arith.constant 0 : i32
          %dma_start3A_295 = arith.constant 0 : i32
          %dma_start3A_296 = tpu.memref_slice %arg9[%dma_start3A_293, %dma_start3A_294, %dma_start3A_295] : memref<2x16x1280xf32, #tpu.memory_space<vmem>> -> memref<1x16x1280xf32, #tpu.memory_space<vmem>>
          %dma_start3A_297 = tpu.memref_squeeze %dma_start3A_296 : memref<1x16x1280xf32, #tpu.memory_space<vmem>> -> memref<16x1280xf32, #tpu.memory_space<vmem>>
          %dma_start3A_298 = arith.constant 0 : i32
          %dma_start3A_299 = tpu.memref_slice %arg4[%dma_start3A_298, %mul3A_274] : memref<16x1600000xf32, #tpu.memory_space<hbm>> -> memref<16x1280xf32, #tpu.memory_space<hbm>>
          %dma_start3A_300 = arith.constant 0 : i32
          %dma_start3A_301 = arith.constant 0 : i32
          %dma_start3A_302 = tpu.memref_slice %arg9[%dma_start3A_293, %dma_start3A_300, %dma_start3A_301] : memref<2x16x1280xf32, #tpu.memory_space<vmem>> -> memref<1x16x1280xf32, #tpu.memory_space<vmem>>
          %dma_start3A_303 = tpu.memref_squeeze %dma_start3A_302 : memref<1x16x1280xf32, #tpu.memory_space<vmem>> -> memref<16x1280xf32, #tpu.memory_space<vmem>>
          %dma_start3A_304 = arith.constant 0 : i32
          %dma_start3A_305 = tpu.memref_slice %arg4[%dma_start3A_304, %mul3A_274] : memref<16x1600000xf32, #tpu.memory_space<hbm>> -> memref<16x1280xf32, #tpu.memory_space<hbm>>
          tpu.enqueue_dma source(%dma_start3A_305 : memref<16x1280xf32, #tpu.memory_space<hbm>>) target(%dma_start3A_303 : memref<16x1280xf32, #tpu.memory_space<vmem>>) target_semaphore(%arg10 : memref<!tpu.dma_semaphore, #tpu.memory_space<semaphore_mem>>)
        } else {
        }
        %mul3A_164 = arith.constant 32 : i32
        %mul3A_165 = arith.muli %add3A_148, %mul3A_164 : i32
        %add3A_166 = arith.addi %add3A, %mul3A_165 : i32
        %mul3A_167 = arith.constant 1280 : i32
        %mul3A_168 = arith.muli %add3A_166, %mul3A_167 : i32
        %dma_wait3A = arith.constant 1 : i32
        %dma_wait3A_169 = arith.constant 0 : i32
        %dma_wait3A_170 = tpu.memref_slice %arg6[%dma_wait3A, %dma_wait3A_169] : memref<2x1280xi32, #tpu.memory_space<vmem>> -> memref<1x1280xi32, #tpu.memory_space<vmem>>
        %dma_wait3A_171 = tpu.memref_squeeze %dma_wait3A_170 : memref<1x1280xi32, #tpu.memory_space<vmem>> -> memref<1280xi32, #tpu.memory_space<vmem>>
        %dma_wait3A_172 = tpu.memref_slice %arg2[%mul3A_168] : memref<1600000xi32, #tpu.memory_space<hbm>> -> memref<1280xi32, #tpu.memory_space<hbm>>
        %dma_wait3A_173 = arith.constant 0 : i32
        %dma_wait3A_174 = tpu.memref_slice %arg6[%dma_wait3A, %dma_wait3A_173] : memref<2x1280xi32, #tpu.memory_space<vmem>> -> memref<1x1280xi32, #tpu.memory_space<vmem>>
        %dma_wait3A_175 = tpu.memref_squeeze %dma_wait3A_174 : memref<1x1280xi32, #tpu.memory_space<vmem>> -> memref<1280xi32, #tpu.memory_space<vmem>>
        %dma_wait3A_176 = tpu.memref_slice %arg2[%mul3A_168] : memref<1600000xi32, #tpu.memory_space<hbm>> -> memref<1280xi32, #tpu.memory_space<hbm>>
        tpu.wait_dma2 semaphore(%arg11 : memref<!tpu.dma_semaphore, #tpu.memory_space<semaphore_mem>>) src(%dma_wait3A_176 : memref<1280xi32, #tpu.memory_space<hbm>>) dst(%dma_wait3A_175 : memref<1280xi32, #tpu.memory_space<vmem>>)
        %dma_wait3A_177 = arith.constant 1 : i32
        %dma_wait3A_178 = arith.constant 0 : i32
        %dma_wait3A_179 = tpu.memref_slice %arg7[%dma_wait3A_177, %dma_wait3A_178] : memref<2x1280xi32, #tpu.memory_space<vmem>> -> memref<1x1280xi32, #tpu.memory_space<vmem>>
        %dma_wait3A_180 = tpu.memref_squeeze %dma_wait3A_179 : memref<1x1280xi32, #tpu.memory_space<vmem>> -> memref<1280xi32, #tpu.memory_space<vmem>>
        %dma_wait3A_181 = tpu.memref_slice %arg3[%mul3A_168] : memref<1600000xi32, #tpu.memory_space<hbm>> -> memref<1280xi32, #tpu.memory_space<hbm>>
        %dma_wait3A_182 = arith.constant 0 : i32
        %dma_wait3A_183 = tpu.memref_slice %arg7[%dma_wait3A_177, %dma_wait3A_182] : memref<2x1280xi32, #tpu.memory_space<vmem>> -> memref<1x1280xi32, #tpu.memory_space<vmem>>
        %dma_wait3A_184 = tpu.memref_squeeze %dma_wait3A_183 : memref<1x1280xi32, #tpu.memory_space<vmem>> -> memref<1280xi32, #tpu.memory_space<vmem>>
        %dma_wait3A_185 = tpu.memref_slice %arg3[%mul3A_168] : memref<1600000xi32, #tpu.memory_space<hbm>> -> memref<1280xi32, #tpu.memory_space<hbm>>
        tpu.wait_dma2 semaphore(%arg11 : memref<!tpu.dma_semaphore, #tpu.memory_space<semaphore_mem>>) src(%dma_wait3A_185 : memref<1280xi32, #tpu.memory_space<hbm>>) dst(%dma_wait3A_184 : memref<1280xi32, #tpu.memory_space<vmem>>)
        %dma_wait3A_186 = arith.constant 1 : i32
        %dma_wait3A_187 = arith.constant 0 : i32
        %dma_wait3A_188 = arith.constant 0 : i32
        %dma_wait3A_189 = tpu.memref_slice %arg9[%dma_wait3A_186, %dma_wait3A_187, %dma_wait3A_188] : memref<2x16x1280xf32, #tpu.memory_space<vmem>> -> memref<1x16x1280xf32, #tpu.memory_space<vmem>>
        %dma_wait3A_190 = tpu.memref_squeeze %dma_wait3A_189 : memref<1x16x1280xf32, #tpu.memory_space<vmem>> -> memref<16x1280xf32, #tpu.memory_space<vmem>>
        %dma_wait3A_191 = arith.constant 0 : i32
        %dma_wait3A_192 = tpu.memref_slice %arg4[%dma_wait3A_191, %mul3A_168] : memref<16x1600000xf32, #tpu.memory_space<hbm>> -> memref<16x1280xf32, #tpu.memory_space<hbm>>
        %dma_wait3A_193 = arith.constant 0 : i32
        %dma_wait3A_194 = arith.constant 0 : i32
        %dma_wait3A_195 = tpu.memref_slice %arg9[%dma_wait3A_186, %dma_wait3A_193, %dma_wait3A_194] : memref<2x16x1280xf32, #tpu.memory_space<vmem>> -> memref<1x16x1280xf32, #tpu.memory_space<vmem>>
        %dma_wait3A_196 = tpu.memref_squeeze %dma_wait3A_195 : memref<1x16x1280xf32, #tpu.memory_space<vmem>> -> memref<16x1280xf32, #tpu.memory_space<vmem>>
        %dma_wait3A_197 = arith.constant 0 : i32
        %dma_wait3A_198 = tpu.memref_slice %arg4[%dma_wait3A_197, %mul3A_168] : memref<16x1600000xf32, #tpu.memory_space<hbm>> -> memref<16x1280xf32, #tpu.memory_space<hbm>>
        tpu.wait_dma2 semaphore(%arg11 : memref<!tpu.dma_semaphore, #tpu.memory_space<semaphore_mem>>) src(%dma_wait3A_198 : memref<16x1280xf32, #tpu.memory_space<hbm>>) dst(%dma_wait3A_196 : memref<16x1280xf32, #tpu.memory_space<vmem>>)
        %scan3A_199 = arith.constant 0 : i32
        %scan3A_200 = arith.constant 0 : i32
        %scan3A_201 = arith.constant 80 : i32
        %scan3A_202 = arith.addi %scan3A_200, %scan3A_201 : i32
        %scan3A_203 = arith.constant 1 : i32
        scf.for %scan3A_235 = %scan3A_200 to %scan3A_202 step %scan3A_203  : i32 {
          %mul3A_236 = arith.constant 16 : i32
          %mul3A_237 = arith.muli %scan3A_235, %mul3A_236 : i32
          %get3A = arith.constant 1 : i32
          %get3A_238 = arith.index_cast %get3A : i32 to index
          %get3A_239 = arith.index_cast %mul3A_237 : i32 to index
          %get3A_240 = tpu.vector_load %arg6[%get3A_238, %get3A_239] {strides = array<i32>} : memref<2x1280xi32, #tpu.memory_space<vmem>>, vector<16xi32>,
          %get3A_241 = arith.constant 1 : i32
          %get3A_242 = arith.index_cast %get3A_241 : i32 to index
          %get3A_243 = arith.index_cast %mul3A_237 : i32 to index
          %get3A_244 = tpu.vector_load %arg7[%get3A_242, %get3A_243] {strides = array<i32>} : memref<2x1280xi32, #tpu.memory_space<vmem>>, vector<16xi32>,
          %sub3A_245 = arith.subi %get3A_240, %get3A_244 : vector<16xi32>
          %add3A_246 = arith.constant 1 : i32
          %add3A_247 = vector.broadcast %add3A_246 : i32 to vector<16xi32>
          %add3A_248 = arith.addi %sub3A_245, %add3A_247 : vector<16xi32>
          %add3A_249 = arith.constant 5 : i32
          %add3A_250 = vector.broadcast %add3A_249 : i32 to vector<16xi32>
          %add3A_251 = arith.addi %add3A_248, %add3A_250 : vector<16xi32>
          %jit3A_252 = arith.constant 0 : i32
          %jit3A_253 = arith.constant 6 : i32
          %max3A = vector.broadcast %jit3A_252 : i32 to vector<16xi32>
          %max3A_254 = arith.maxsi %max3A, %add3A_251 : vector<16xi32>
          %min3A = vector.broadcast %jit3A_253 : i32 to vector<16xi32>
          %min3A_255 = arith.minsi %min3A, %max3A_254 : vector<16xi32>
          %add3A_256 = arith.constant 10 : i32
          %add3A_257 = vector.broadcast %add3A_256 : i32 to vector<16xi32>
          %add3A_258 = arith.addi %add3A_248, %add3A_257 : vector<16xi32>
          %jit3A_259 = arith.constant 0 : i32
          %jit3A_260 = arith.constant 1 : i32
          %max3A_261 = vector.broadcast %jit3A_259 : i32 to vector<16xi32>
          %max3A_262 = arith.maxsi %max3A_261, %add3A_258 : vector<16xi32>
          %min3A_263 = vector.broadcast %jit3A_260 : i32 to vector<16xi32>
          %min3A_264 = arith.minsi %min3A_263, %max3A_262 : vector<16xi32>
          %add3A_265 = arith.addi %min3A_255, %min3A_264 : vector<16xi32>
          %sub3A_266 = arith.constant 6 : i32
          %sub3A_267 = vector.broadcast %sub3A_266 : i32 to vector<16xi32>
          %sub3A_268 = arith.subi %sub3A_267, %add3A_265 : vector<16xi32>
          %eq3A_269 = arith.constant 0 : i32
          %eq3A_270 = vector.broadcast %eq3A_269 : i32 to vector<16xi32>
          %eq3A_271 = arith.cmpi eq, %sub3A_268, %eq3A_270 : vector<16xi32>
          %jit3A_272 = arith.constant 1.000000e+00 : f32
          %jit3A_273 = arith.constant 0.000000e+00 : f32
          %broadcast_in_dim3A = vector.broadcast %jit3A_272 : f32 to vector<16xf32>
          %broadcast_in_dim3A_274 = vector.broadcast %jit3A_273 : f32 to vector<16xf32>
          %select_n3A_275 = arith.select %eq3A_271, %broadcast_in_dim3A, %broadcast_in_dim3A_274 : vector<16xi1>, vector<16xf32>
          %swap3A = arith.constant 1 : i32
          %swap3A_276 = arith.constant 0 : i32
          %swap3A_277 = arith.index_cast %swap3A : i32 to index
          %swap3A_278 = arith.index_cast %swap3A_276 : i32 to index
          %swap3A_279 = arith.index_cast %mul3A_237 : i32 to index
          %swap3A_280 = tpu.vector_load %arg8[%swap3A_277, %swap3A_278, %swap3A_279] {strides = array<i32>} : memref<2x7x1280xf32, #tpu.memory_space<vmem>>, vector<16xf32>,
          tpu.vector_store %arg8[%swap3A_277, %swap3A_278, %swap3A_279], %select_n3A_275 {strides = array<i32>} : memref<2x7x1280xf32, #tpu.memory_space<vmem>>, vector<16xf32>,
          %eq3A_281 = arith.constant 1 : i32
          %eq3A_282 = vector.broadcast %eq3A_281 : i32 to vector<16xi32>
          %eq3A_283 = arith.cmpi eq, %sub3A_268, %eq3A_282 : vector<16xi32>
          %jit3A_284 = arith.constant 1.000000e+00 : f32
          %jit3A_285 = arith.constant 0.000000e+00 : f32
          %broadcast_in_dim3A_286 = vector.broadcast %jit3A_284 : f32 to vector<16xf32>
          %broadcast_in_dim3A_287 = vector.broadcast %jit3A_285 : f32 to vector<16xf32>
          %select_n3A_288 = arith.select %eq3A_283, %broadcast_in_dim3A_286, %broadcast_in_dim3A_287 : vector<16xi1>, vector<16xf32>
          %swap3A_289 = arith.constant 1 : i32
          %swap3A_290 = arith.constant 1 : i32
          %swap3A_291 = arith.index_cast %swap3A_289 : i32 to index
          %swap3A_292 = arith.index_cast %swap3A_290 : i32 to index
          %swap3A_293 = arith.index_cast %mul3A_237 : i32 to index
          %swap3A_294 = tpu.vector_load %arg8[%swap3A_291, %swap3A_292, %swap3A_293] {strides = array<i32>} : memref<2x7x1280xf32, #tpu.memory_space<vmem>>, vector<16xf32>,
          tpu.vector_store %arg8[%swap3A_291, %swap3A_292, %swap3A_293], %select_n3A_288 {strides = array<i32>} : memref<2x7x1280xf32, #tpu.memory_space<vmem>>, vector<16xf32>,
          %eq3A_295 = arith.constant 2 : i32
          %eq3A_296 = vector.broadcast %eq3A_295 : i32 to vector<16xi32>
          %eq3A_297 = arith.cmpi eq, %sub3A_268, %eq3A_296 : vector<16xi32>
          %jit3A_298 = arith.constant 1.000000e+00 : f32
          %jit3A_299 = arith.constant 0.000000e+00 : f32
          %broadcast_in_dim3A_300 = vector.broadcast %jit3A_298 : f32 to vector<16xf32>
          %broadcast_in_dim3A_301 = vector.broadcast %jit3A_299 : f32 to vector<16xf32>
          %select_n3A_302 = arith.select %eq3A_297, %broadcast_in_dim3A_300, %broadcast_in_dim3A_301 : vector<16xi1>, vector<16xf32>
          %swap3A_303 = arith.constant 1 : i32
          %swap3A_304 = arith.constant 2 : i32
          %swap3A_305 = arith.index_cast %swap3A_303 : i32 to index
          %swap3A_306 = arith.index_cast %swap3A_304 : i32 to index
          %swap3A_307 = arith.index_cast %mul3A_237 : i32 to index
          %swap3A_308 = tpu.vector_load %arg8[%swap3A_305, %swap3A_306, %swap3A_307] {strides = array<i32>} : memref<2x7x1280xf32, #tpu.memory_space<vmem>>, vector<16xf32>,
          tpu.vector_store %arg8[%swap3A_305, %swap3A_306, %swap3A_307], %select_n3A_302 {strides = array<i32>} : memref<2x7x1280xf32, #tpu.memory_space<vmem>>, vector<16xf32>,
          %eq3A_309 = arith.constant 3 : i32
          %eq3A_310 = vector.broadcast %eq3A_309 : i32 to vector<16xi32>
          %eq3A_311 = arith.cmpi eq, %sub3A_268, %eq3A_310 : vector<16xi32>
          %jit3A_312 = arith.constant 1.000000e+00 : f32
          %jit3A_313 = arith.constant 0.000000e+00 : f32
          %broadcast_in_dim3A_314 = vector.broadcast %jit3A_312 : f32 to vector<16xf32>
          %broadcast_in_dim3A_315 = vector.broadcast %jit3A_313 : f32 to vector<16xf32>
          %select_n3A_316 = arith.select %eq3A_311, %broadcast_in_dim3A_314, %broadcast_in_dim3A_315 : vector<16xi1>, vector<16xf32>
          %swap3A_317 = arith.constant 1 : i32
          %swap3A_318 = arith.constant 3 : i32
          %swap3A_319 = arith.index_cast %swap3A_317 : i32 to index
          %swap3A_320 = arith.index_cast %swap3A_318 : i32 to index
          %swap3A_321 = arith.index_cast %mul3A_237 : i32 to index
          %swap3A_322 = tpu.vector_load %arg8[%swap3A_319, %swap3A_320, %swap3A_321] {strides = array<i32>} : memref<2x7x1280xf32, #tpu.memory_space<vmem>>, vector<16xf32>,
          tpu.vector_store %arg8[%swap3A_319, %swap3A_320, %swap3A_321], %select_n3A_316 {strides = array<i32>} : memref<2x7x1280xf32, #tpu.memory_space<vmem>>, vector<16xf32>,
          %eq3A_323 = arith.constant 4 : i32
          %eq3A_324 = vector.broadcast %eq3A_323 : i32 to vector<16xi32>
          %eq3A_325 = arith.cmpi eq, %sub3A_268, %eq3A_324 : vector<16xi32>
          %jit3A_326 = arith.constant 1.000000e+00 : f32
          %jit3A_327 = arith.constant 0.000000e+00 : f32
          %broadcast_in_dim3A_328 = vector.broadcast %jit3A_326 : f32 to vector<16xf32>
          %broadcast_in_dim3A_329 = vector.broadcast %jit3A_327 : f32 to vector<16xf32>
          %select_n3A_330 = arith.select %eq3A_325, %broadcast_in_dim3A_328, %broadcast_in_dim3A_329 : vector<16xi1>, vector<16xf32>
          %swap3A_331 = arith.constant 1 : i32
          %swap3A_332 = arith.constant 4 : i32
          %swap3A_333 = arith.index_cast %swap3A_331 : i32 to index
          %swap3A_334 = arith.index_cast %swap3A_332 : i32 to index
          %swap3A_335 = arith.index_cast %mul3A_237 : i32 to index
          %swap3A_336 = tpu.vector_load %arg8[%swap3A_333, %swap3A_334, %swap3A_335] {strides = array<i32>} : memref<2x7x1280xf32, #tpu.memory_space<vmem>>, vector<16xf32>,
          tpu.vector_store %arg8[%swap3A_333, %swap3A_334, %swap3A_335], %select_n3A_330 {strides = array<i32>} : memref<2x7x1280xf32, #tpu.memory_space<vmem>>, vector<16xf32>,
          %eq3A_337 = arith.constant 5 : i32
          %eq3A_338 = vector.broadcast %eq3A_337 : i32 to vector<16xi32>
          %eq3A_339 = arith.cmpi eq, %sub3A_268, %eq3A_338 : vector<16xi32>
          %jit3A_340 = arith.constant 1.000000e+00 : f32
          %jit3A_341 = arith.constant 0.000000e+00 : f32
          %broadcast_in_dim3A_342 = vector.broadcast %jit3A_340 : f32 to vector<16xf32>
          %broadcast_in_dim3A_343 = vector.broadcast %jit3A_341 : f32 to vector<16xf32>
          %select_n3A_344 = arith.select %eq3A_339, %broadcast_in_dim3A_342, %broadcast_in_dim3A_343 : vector<16xi1>, vector<16xf32>
          %swap3A_345 = arith.constant 1 : i32
          %swap3A_346 = arith.constant 5 : i32
          %swap3A_347 = arith.index_cast %swap3A_345 : i32 to index
          %swap3A_348 = arith.index_cast %swap3A_346 : i32 to index
          %swap3A_349 = arith.index_cast %mul3A_237 : i32 to index
          %swap3A_350 = tpu.vector_load %arg8[%swap3A_347, %swap3A_348, %swap3A_349] {strides = array<i32>} : memref<2x7x1280xf32, #tpu.memory_space<vmem>>, vector<16xf32>,
          tpu.vector_store %arg8[%swap3A_347, %swap3A_348, %swap3A_349], %select_n3A_344 {strides = array<i32>} : memref<2x7x1280xf32, #tpu.memory_space<vmem>>, vector<16xf32>,
          %eq3A_351 = arith.constant 6 : i32
          %eq3A_352 = vector.broadcast %eq3A_351 : i32 to vector<16xi32>
          %eq3A_353 = arith.cmpi eq, %sub3A_268, %eq3A_352 : vector<16xi32>
          %jit3A_354 = arith.constant 1.000000e+00 : f32
          %jit3A_355 = arith.constant 0.000000e+00 : f32
          %broadcast_in_dim3A_356 = vector.broadcast %jit3A_354 : f32 to vector<16xf32>
          %broadcast_in_dim3A_357 = vector.broadcast %jit3A_355 : f32 to vector<16xf32>
          %select_n3A_358 = arith.select %eq3A_353, %broadcast_in_dim3A_356, %broadcast_in_dim3A_357 : vector<16xi1>, vector<16xf32>
          %swap3A_359 = arith.constant 1 : i32
          %swap3A_360 = arith.constant 6 : i32
          %swap3A_361 = arith.index_cast %swap3A_359 : i32 to index
          %swap3A_362 = arith.index_cast %swap3A_360 : i32 to index
          %swap3A_363 = arith.index_cast %mul3A_237 : i32 to index
          %swap3A_364 = tpu.vector_load %arg8[%swap3A_361, %swap3A_362, %swap3A_363] {strides = array<i32>} : memref<2x7x1280xf32, #tpu.memory_space<vmem>>, vector<16xf32>,
          tpu.vector_store %arg8[%swap3A_361, %swap3A_362, %swap3A_363], %select_n3A_358 {strides = array<i32>} : memref<2x7x1280xf32, #tpu.memory_space<vmem>>, vector<16xf32>,
        }
        %scan3A_204 = arith.constant 80 : i32
        %mul3A_205 = arith.constant 32 : i32
        %mul3A_206 = arith.muli %add3A_148, %mul3A_205 : i32
        %add3A_207 = arith.addi %add3A, %mul3A_206 : i32
        %mul3A_208 = arith.constant 1280 : i32
        %mul3A_209 = arith.muli %add3A_207, %mul3A_208 : i32
        %dma_start3A = arith.constant 1 : i32
        %dma_start3A_210 = arith.constant 0 : i32
        %dma_start3A_211 = arith.constant 0 : i32
        %dma_start3A_212 = tpu.memref_slice %arg8[%dma_start3A, %dma_start3A_210, %dma_start3A_211] : memref<2x7x1280xf32, #tpu.memory_space<vmem>> -> memref<1x7x1280xf32, #tpu.memory_space<vmem>>
        %dma_start3A_213 = tpu.memref_squeeze %dma_start3A_212 : memref<1x7x1280xf32, #tpu.memory_space<vmem>> -> memref<7x1280xf32, #tpu.memory_space<vmem>>
        %dma_start3A_214 = arith.constant 16 : i32
        %dma_start3A_215 = tpu.memref_slice %arg5[%dma_start3A_214, %mul3A_209] : memref<23x1600000xf32, #tpu.memory_space<hbm>> -> memref<7x1280xf32, #tpu.memory_space<hbm>>
        %dma_start3A_216 = arith.constant 16 : i32
        %dma_start3A_217 = tpu.memref_slice %arg5[%dma_start3A_216, %mul3A_209] : memref<23x1600000xf32, #tpu.memory_space<hbm>> -> memref<7x1280xf32, #tpu.memory_space<hbm>>
        %dma_start3A_218 = arith.constant 0 : i32
        %dma_start3A_219 = arith.constant 0 : i32
        %dma_start3A_220 = tpu.memref_slice %arg8[%dma_start3A, %dma_start3A_218, %dma_start3A_219] : memref<2x7x1280xf32, #tpu.memory_space<vmem>> -> memref<1x7x1280xf32, #tpu.memory_space<vmem>>
        %dma_start3A_221 = tpu.memref_squeeze %dma_start3A_220 : memref<1x7x1280xf32, #tpu.memory_space<vmem>> -> memref<7x1280xf32, #tpu.memory_space<vmem>>
        tpu.enqueue_dma source(%dma_start3A_221 : memref<7x1280xf32, #tpu.memory_space<vmem>>) target(%dma_start3A_217 : memref<7x1280xf32, #tpu.memory_space<hbm>>) target_semaphore(%arg13 : memref<!tpu.dma_semaphore, #tpu.memory_space<semaphore_mem>>)
        %dma_start3A_222 = arith.constant 1 : i32
        %dma_start3A_223 = arith.constant 0 : i32
        %dma_start3A_224 = arith.constant 0 : i32
        %dma_start3A_225 = tpu.memref_slice %arg9[%dma_start3A_222, %dma_start3A_223, %dma_start3A_224] : memref<2x16x1280xf32, #tpu.memory_space<vmem>> -> memref<1x16x1280xf32, #tpu.memory_space<vmem>>
        %dma_start3A_226 = tpu.memref_squeeze %dma_start3A_225 : memref<1x16x1280xf32, #tpu.memory_space<vmem>> -> memref<16x1280xf32, #tpu.memory_space<vmem>>
        %dma_start3A_227 = arith.constant 0 : i32
        %dma_start3A_228 = tpu.memref_slice %arg5[%dma_start3A_227, %mul3A_209] : memref<23x1600000xf32, #tpu.memory_space<hbm>> -> memref<16x1280xf32, #tpu.memory_space<hbm>>
        %dma_start3A_229 = arith.constant 0 : i32
        %dma_start3A_230 = tpu.memref_slice %arg5[%dma_start3A_229, %mul3A_209] : memref<23x1600000xf32, #tpu.memory_space<hbm>> -> memref<16x1280xf32, #tpu.memory_space<hbm>>
        %dma_start3A_231 = arith.constant 0 : i32
        %dma_start3A_232 = arith.constant 0 : i32
        %dma_start3A_233 = tpu.memref_slice %arg9[%dma_start3A_222, %dma_start3A_231, %dma_start3A_232] : memref<2x16x1280xf32, #tpu.memory_space<vmem>> -> memref<1x16x1280xf32, #tpu.memory_space<vmem>>
        %dma_start3A_234 = tpu.memref_squeeze %dma_start3A_233 : memref<1x16x1280xf32, #tpu.memory_space<vmem>> -> memref<16x1280xf32, #tpu.memory_space<vmem>>
        tpu.enqueue_dma source(%dma_start3A_234 : memref<16x1280xf32, #tpu.memory_space<vmem>>) target(%dma_start3A_230 : memref<16x1280xf32, #tpu.memory_space<hbm>>) target_semaphore(%arg13 : memref<!tpu.dma_semaphore, #tpu.memory_space<semaphore_mem>>)
      } else {
      }
    }
    %scan3A_7 = arith.constant 20 : i32
    %sub3A = arith.constant 1250 : i32
    %sub3A_8 = arith.subi %sub3A, %add3A : i32
    %add3A_9 = arith.constant 32 : i32
    %add3A_10 = arith.addi %sub3A_8, %add3A_9 : i32
    %sub3A_11 = arith.constant 1 : i32
    %sub3A_12 = arith.subi %add3A_10, %sub3A_11 : i32
    %jit3A = arith.constant 32 : i32
    %div3A = arith.divsi %sub3A_12, %jit3A : i32
    %sign3A = arith.constant 0 : i32
    %sign3A_13 = arith.cmpi sgt, %sub3A_12, %sign3A : i32
    %sign3A_14 = arith.extui %sign3A_13 : i1 to i32
    %sign3A_15 = arith.constant 0 : i32
    %sign3A_16 = arith.cmpi slt, %sub3A_12, %sign3A_15 : i32
    %sign3A_17 = arith.extui %sign3A_16 : i1 to i32
    %sign3A_18 = arith.subi %sign3A_14, %sign3A_17 : i32
    %sign3A_19 = arith.constant 0 : i32
    %sign3A_20 = arith.cmpi sgt, %jit3A, %sign3A_19 : i32
    %sign3A_21 = arith.extui %sign3A_20 : i1 to i32
    %sign3A_22 = arith.constant 0 : i32
    %sign3A_23 = arith.cmpi slt, %jit3A, %sign3A_22 : i32
    %sign3A_24 = arith.extui %sign3A_23 : i1 to i32
    %sign3A_25 = arith.subi %sign3A_21, %sign3A_24 : i32
    %ne3A = arith.cmpi ne, %sign3A_18, %sign3A_25 : i32
    %rem3A = arith.remsi %sub3A_12, %jit3A : i32
    %ne3A_26 = arith.constant 0 : i32
    %ne3A_27 = arith.cmpi ne, %rem3A, %ne3A_26 : i32
    %and3A = arith.andi %ne3A, %ne3A_27 : i1
    %sub3A_28 = arith.constant 1 : i32
    %sub3A_29 = arith.subi %div3A, %sub3A_28 : i32
    %select_n3A = arith.select %and3A, %sub3A_29, %div3A : i32
    %ge3A = arith.constant 1 : i32
    %ge3A_30 = arith.cmpi sge, %select_n3A, %ge3A : i32
    %sub3A_31 = arith.constant 1 : i32
    %sub3A_32 = arith.subi %select_n3A, %sub3A_31 : i32
    %jit3A_33 = arith.constant 2 : i32
    %eq3A = arith.constant 0 : i32
    %eq3A_34 = arith.cmpi eq, %jit3A_33, %eq3A : i32
    %jit3A_35 = arith.constant 1 : i32
    %select_n3A_36 = arith.select %eq3A_34, %jit3A_35, %jit3A_33 : i32
    %rem3A_37 = arith.remsi %sub3A_32, %select_n3A_36 : i32
    %ne3A_38 = arith.constant 0 : i32
    %ne3A_39 = arith.cmpi ne, %rem3A_37, %ne3A_38 : i32
    %lt3A_40 = arith.constant 0 : i32
    %lt3A_41 = arith.cmpi slt, %rem3A_37, %lt3A_40 : i32
    %lt3A_42 = arith.constant 0 : i32
    %lt3A_43 = arith.cmpi slt, %select_n3A_36, %lt3A_42 : i32
    %ne3A_44 = arith.xori %lt3A_41, %lt3A_43 : i1
    %and3A_45 = arith.andi %ne3A_44, %ne3A_39 : i1
    %add3A_46 = arith.addi %rem3A_37, %select_n3A_36 : i32
    %select_n3A_47 = arith.select %and3A_45, %add3A_46, %rem3A_37 : i32
    %eq3A_48 = arith.constant 0 : i32
    %eq3A_49 = arith.cmpi eq, %select_n3A_47, %eq3A_48 : i32
    %and3A_50 = arith.andi %ge3A_30, %eq3A_49 : i1
    %convert_element_type3A_51 = arith.extui %and3A_50 : i1 to i32
    %cond3A_52 = arith.constant 0 : i32
    %cond3A_53 = arith.cmpi ne, %convert_element_type3A_51, %cond3A_52 : i32
    scf.if %cond3A_53 {
      %sub3A_132 = arith.constant 1 : i32
      %sub3A_133 = arith.subi %select_n3A, %sub3A_132 : i32
      %mul3A_134 = arith.constant 32 : i32
      %mul3A_135 = arith.muli %sub3A_133, %mul3A_134 : i32
      %add3A_136 = arith.addi %add3A, %mul3A_135 : i32
      %mul3A_137 = arith.constant 1280 : i32
      %mul3A_138 = arith.muli %add3A_136, %mul3A_137 : i32
      %dma_wait3A = arith.constant 0 : i32
      %dma_wait3A_139 = arith.constant 0 : i32
      %dma_wait3A_140 = arith.constant 0 : i32
      %dma_wait3A_141 = tpu.memref_slice %arg8[%dma_wait3A, %dma_wait3A_139, %dma_wait3A_140] : memref<2x7x1280xf32, #tpu.memory_space<vmem>> -> memref<1x7x1280xf32, #tpu.memory_space<vmem>>
      %dma_wait3A_142 = tpu.memref_squeeze %dma_wait3A_141 : memref<1x7x1280xf32, #tpu.memory_space<vmem>> -> memref<7x1280xf32, #tpu.memory_space<vmem>>
      %dma_wait3A_143 = arith.constant 16 : i32
      %dma_wait3A_144 = tpu.memref_slice %arg5[%dma_wait3A_143, %mul3A_138] : memref<23x1600000xf32, #tpu.memory_space<hbm>> -> memref<7x1280xf32, #tpu.memory_space<hbm>>
      %dma_wait3A_145 = arith.constant 16 : i32
      %dma_wait3A_146 = tpu.memref_slice %arg5[%dma_wait3A_145, %mul3A_138] : memref<23x1600000xf32, #tpu.memory_space<hbm>> -> memref<7x1280xf32, #tpu.memory_space<hbm>>
      %dma_wait3A_147 = arith.constant 0 : i32
      %dma_wait3A_148 = arith.constant 0 : i32
      %dma_wait3A_149 = tpu.memref_slice %arg8[%dma_wait3A, %dma_wait3A_147, %dma_wait3A_148] : memref<2x7x1280xf32, #tpu.memory_space<vmem>> -> memref<1x7x1280xf32, #tpu.memory_space<vmem>>
      %dma_wait3A_150 = tpu.memref_squeeze %dma_wait3A_149 : memref<1x7x1280xf32, #tpu.memory_space<vmem>> -> memref<7x1280xf32, #tpu.memory_space<vmem>>
      tpu.wait_dma2 semaphore(%arg12 : memref<!tpu.dma_semaphore, #tpu.memory_space<semaphore_mem>>) src(%dma_wait3A_150 : memref<7x1280xf32, #tpu.memory_space<vmem>>) dst(%dma_wait3A_146 : memref<7x1280xf32, #tpu.memory_space<hbm>>)
      %dma_wait3A_151 = arith.constant 0 : i32
      %dma_wait3A_152 = arith.constant 0 : i32
      %dma_wait3A_153 = arith.constant 0 : i32
      %dma_wait3A_154 = tpu.memref_slice %arg9[%dma_wait3A_151, %dma_wait3A_152, %dma_wait3A_153] : memref<2x16x1280xf32, #tpu.memory_space<vmem>> -> memref<1x16x1280xf32, #tpu.memory_space<vmem>>
      %dma_wait3A_155 = tpu.memref_squeeze %dma_wait3A_154 : memref<1x16x1280xf32, #tpu.memory_space<vmem>> -> memref<16x1280xf32, #tpu.memory_space<vmem>>
      %dma_wait3A_156 = arith.constant 0 : i32
      %dma_wait3A_157 = tpu.memref_slice %arg5[%dma_wait3A_156, %mul3A_138] : memref<23x1600000xf32, #tpu.memory_space<hbm>> -> memref<16x1280xf32, #tpu.memory_space<hbm>>
      %dma_wait3A_158 = arith.constant 0 : i32
      %dma_wait3A_159 = tpu.memref_slice %arg5[%dma_wait3A_158, %mul3A_138] : memref<23x1600000xf32, #tpu.memory_space<hbm>> -> memref<16x1280xf32, #tpu.memory_space<hbm>>
      %dma_wait3A_160 = arith.constant 0 : i32
      %dma_wait3A_161 = arith.constant 0 : i32
      %dma_wait3A_162 = tpu.memref_slice %arg9[%dma_wait3A_151, %dma_wait3A_160, %dma_wait3A_161] : memref<2x16x1280xf32, #tpu.memory_space<vmem>> -> memref<1x16x1280xf32, #tpu.memory_space<vmem>>
      %dma_wait3A_163 = tpu.memref_squeeze %dma_wait3A_162 : memref<1x16x1280xf32, #tpu.memory_space<vmem>> -> memref<16x1280xf32, #tpu.memory_space<vmem>>
      tpu.wait_dma2 semaphore(%arg12 : memref<!tpu.dma_semaphore, #tpu.memory_space<semaphore_mem>>) src(%dma_wait3A_163 : memref<16x1280xf32, #tpu.memory_space<vmem>>) dst(%dma_wait3A_159 : memref<16x1280xf32, #tpu.memory_space<hbm>>)
    } else {
    }
    %ge3A_54 = arith.constant 2 : i32
    %ge3A_55 = arith.cmpi sge, %select_n3A, %ge3A_54 : i32
    %sub3A_56 = arith.constant 2 : i32
    %sub3A_57 = arith.subi %select_n3A, %sub3A_56 : i32
    %jit3A_58 = arith.constant 2 : i32
    %eq3A_59 = arith.constant 0 : i32
    %eq3A_60 = arith.cmpi eq, %jit3A_58, %eq3A_59 : i32
    %jit3A_61 = arith.constant 1 : i32
    %select_n3A_62 = arith.select %eq3A_60, %jit3A_61, %jit3A_58 : i32
    %rem3A_63 = arith.remsi %sub3A_57, %select_n3A_62 : i32
    %ne3A_64 = arith.constant 0 : i32
    %ne3A_65 = arith.cmpi ne, %rem3A_63, %ne3A_64 : i32
    %lt3A_66 = arith.constant 0 : i32
    %lt3A_67 = arith.cmpi slt, %rem3A_63, %lt3A_66 : i32
    %lt3A_68 = arith.constant 0 : i32
    %lt3A_69 = arith.cmpi slt, %select_n3A_62, %lt3A_68 : i32
    %ne3A_70 = arith.xori %lt3A_67, %lt3A_69 : i1
    %and3A_71 = arith.andi %ne3A_70, %ne3A_65 : i1
    %add3A_72 = arith.addi %rem3A_63, %select_n3A_62 : i32
    %select_n3A_73 = arith.select %and3A_71, %add3A_72, %rem3A_63 : i32
    %eq3A_74 = arith.constant 0 : i32
    %eq3A_75 = arith.cmpi eq, %select_n3A_73, %eq3A_74 : i32
    %and3A_76 = arith.andi %ge3A_55, %eq3A_75 : i1
    %convert_element_type3A_77 = arith.extui %and3A_76 : i1 to i32
    %cond3A_78 = arith.constant 0 : i32
    %cond3A_79 = arith.cmpi ne, %convert_element_type3A_77, %cond3A_78 : i32
    scf.if %cond3A_79 {
      %sub3A_132 = arith.constant 2 : i32
      %sub3A_133 = arith.subi %select_n3A, %sub3A_132 : i32
      %mul3A_134 = arith.constant 32 : i32
      %mul3A_135 = arith.muli %sub3A_133, %mul3A_134 : i32
      %add3A_136 = arith.addi %add3A, %mul3A_135 : i32
      %mul3A_137 = arith.constant 1280 : i32
      %mul3A_138 = arith.muli %add3A_136, %mul3A_137 : i32
      %dma_wait3A = arith.constant 0 : i32
      %dma_wait3A_139 = arith.constant 0 : i32
      %dma_wait3A_140 = arith.constant 0 : i32
      %dma_wait3A_141 = tpu.memref_slice %arg8[%dma_wait3A, %dma_wait3A_139, %dma_wait3A_140] : memref<2x7x1280xf32, #tpu.memory_space<vmem>> -> memref<1x7x1280xf32, #tpu.memory_space<vmem>>
      %dma_wait3A_142 = tpu.memref_squeeze %dma_wait3A_141 : memref<1x7x1280xf32, #tpu.memory_space<vmem>> -> memref<7x1280xf32, #tpu.memory_space<vmem>>
      %dma_wait3A_143 = arith.constant 16 : i32
      %dma_wait3A_144 = tpu.memref_slice %arg5[%dma_wait3A_143, %mul3A_138] : memref<23x1600000xf32, #tpu.memory_space<hbm>> -> memref<7x1280xf32, #tpu.memory_space<hbm>>
      %dma_wait3A_145 = arith.constant 16 : i32
      %dma_wait3A_146 = tpu.memref_slice %arg5[%dma_wait3A_145, %mul3A_138] : memref<23x1600000xf32, #tpu.memory_space<hbm>> -> memref<7x1280xf32, #tpu.memory_space<hbm>>
      %dma_wait3A_147 = arith.constant 0 : i32
      %dma_wait3A_148 = arith.constant 0 : i32
      %dma_wait3A_149 = tpu.memref_slice %arg8[%dma_wait3A, %dma_wait3A_147, %dma_wait3A_148] : memref<2x7x1280xf32, #tpu.memory_space<vmem>> -> memref<1x7x1280xf32, #tpu.memory_space<vmem>>
      %dma_wait3A_150 = tpu.memref_squeeze %dma_wait3A_149 : memref<1x7x1280xf32, #tpu.memory_space<vmem>> -> memref<7x1280xf32, #tpu.memory_space<vmem>>
      tpu.wait_dma2 semaphore(%arg12 : memref<!tpu.dma_semaphore, #tpu.memory_space<semaphore_mem>>) src(%dma_wait3A_150 : memref<7x1280xf32, #tpu.memory_space<vmem>>) dst(%dma_wait3A_146 : memref<7x1280xf32, #tpu.memory_space<hbm>>)
      %dma_wait3A_151 = arith.constant 0 : i32
      %dma_wait3A_152 = arith.constant 0 : i32
      %dma_wait3A_153 = arith.constant 0 : i32
      %dma_wait3A_154 = tpu.memref_slice %arg9[%dma_wait3A_151, %dma_wait3A_152, %dma_wait3A_153] : memref<2x16x1280xf32, #tpu.memory_space<vmem>> -> memref<1x16x1280xf32, #tpu.memory_space<vmem>>
      %dma_wait3A_155 = tpu.memref_squeeze %dma_wait3A_154 : memref<1x16x1280xf32, #tpu.memory_space<vmem>> -> memref<16x1280xf32, #tpu.memory_space<vmem>>
      %dma_wait3A_156 = arith.constant 0 : i32
      %dma_wait3A_157 = tpu.memref_slice %arg5[%dma_wait3A_156, %mul3A_138] : memref<23x1600000xf32, #tpu.memory_space<hbm>> -> memref<16x1280xf32, #tpu.memory_space<hbm>>
      %dma_wait3A_158 = arith.constant 0 : i32
      %dma_wait3A_159 = tpu.memref_slice %arg5[%dma_wait3A_158, %mul3A_138] : memref<23x1600000xf32, #tpu.memory_space<hbm>> -> memref<16x1280xf32, #tpu.memory_space<hbm>>
      %dma_wait3A_160 = arith.constant 0 : i32
      %dma_wait3A_161 = arith.constant 0 : i32
      %dma_wait3A_162 = tpu.memref_slice %arg9[%dma_wait3A_151, %dma_wait3A_160, %dma_wait3A_161] : memref<2x16x1280xf32, #tpu.memory_space<vmem>> -> memref<1x16x1280xf32, #tpu.memory_space<vmem>>
      %dma_wait3A_163 = tpu.memref_squeeze %dma_wait3A_162 : memref<1x16x1280xf32, #tpu.memory_space<vmem>> -> memref<16x1280xf32, #tpu.memory_space<vmem>>
      tpu.wait_dma2 semaphore(%arg12 : memref<!tpu.dma_semaphore, #tpu.memory_space<semaphore_mem>>) src(%dma_wait3A_163 : memref<16x1280xf32, #tpu.memory_space<vmem>>) dst(%dma_wait3A_159 : memref<16x1280xf32, #tpu.memory_space<hbm>>)
    } else {
    }
    %ge3A_80 = arith.constant 1 : i32
    %ge3A_81 = arith.cmpi sge, %select_n3A, %ge3A_80 : i32
    %sub3A_82 = arith.constant 1 : i32
    %sub3A_83 = arith.subi %select_n3A, %sub3A_82 : i32
    %jit3A_84 = arith.constant 2 : i32
    %eq3A_85 = arith.constant 0 : i32
    %eq3A_86 = arith.cmpi eq, %jit3A_84, %eq3A_85 : i32
    %jit3A_87 = arith.constant 1 : i32
    %select_n3A_88 = arith.select %eq3A_86, %jit3A_87, %jit3A_84 : i32
    %rem3A_89 = arith.remsi %sub3A_83, %select_n3A_88 : i32
    %ne3A_90 = arith.constant 0 : i32
    %ne3A_91 = arith.cmpi ne, %rem3A_89, %ne3A_90 : i32
    %lt3A_92 = arith.constant 0 : i32
    %lt3A_93 = arith.cmpi slt, %rem3A_89, %lt3A_92 : i32
    %lt3A_94 = arith.constant 0 : i32
    %lt3A_95 = arith.cmpi slt, %select_n3A_88, %lt3A_94 : i32
    %ne3A_96 = arith.xori %lt3A_93, %lt3A_95 : i1
    %and3A_97 = arith.andi %ne3A_96, %ne3A_91 : i1
    %add3A_98 = arith.addi %rem3A_89, %select_n3A_88 : i32
    %select_n3A_99 = arith.select %and3A_97, %add3A_98, %rem3A_89 : i32
    %eq3A_100 = arith.constant 1 : i32
    %eq3A_101 = arith.cmpi eq, %select_n3A_99, %eq3A_100 : i32
    %and3A_102 = arith.andi %ge3A_81, %eq3A_101 : i1
    %convert_element_type3A_103 = arith.extui %and3A_102 : i1 to i32
    %cond3A_104 = arith.constant 0 : i32
    %cond3A_105 = arith.cmpi ne, %convert_element_type3A_103, %cond3A_104 : i32
    scf.if %cond3A_105 {
      %sub3A_132 = arith.constant 1 : i32
      %sub3A_133 = arith.subi %select_n3A, %sub3A_132 : i32
      %mul3A_134 = arith.constant 32 : i32
      %mul3A_135 = arith.muli %sub3A_133, %mul3A_134 : i32
      %add3A_136 = arith.addi %add3A, %mul3A_135 : i32
      %mul3A_137 = arith.constant 1280 : i32
      %mul3A_138 = arith.muli %add3A_136, %mul3A_137 : i32
      %dma_wait3A = arith.constant 1 : i32
      %dma_wait3A_139 = arith.constant 0 : i32
      %dma_wait3A_140 = arith.constant 0 : i32
      %dma_wait3A_141 = tpu.memref_slice %arg8[%dma_wait3A, %dma_wait3A_139, %dma_wait3A_140] : memref<2x7x1280xf32, #tpu.memory_space<vmem>> -> memref<1x7x1280xf32, #tpu.memory_space<vmem>>
      %dma_wait3A_142 = tpu.memref_squeeze %dma_wait3A_141 : memref<1x7x1280xf32, #tpu.memory_space<vmem>> -> memref<7x1280xf32, #tpu.memory_space<vmem>>
      %dma_wait3A_143 = arith.constant 16 : i32
      %dma_wait3A_144 = tpu.memref_slice %arg5[%dma_wait3A_143, %mul3A_138] : memref<23x1600000xf32, #tpu.memory_space<hbm>> -> memref<7x1280xf32, #tpu.memory_space<hbm>>
      %dma_wait3A_145 = arith.constant 16 : i32
      %dma_wait3A_146 = tpu.memref_slice %arg5[%dma_wait3A_145, %mul3A_138] : memref<23x1600000xf32, #tpu.memory_space<hbm>> -> memref<7x1280xf32, #tpu.memory_space<hbm>>
      %dma_wait3A_147 = arith.constant 0 : i32
      %dma_wait3A_148 = arith.constant 0 : i32
      %dma_wait3A_149 = tpu.memref_slice %arg8[%dma_wait3A, %dma_wait3A_147, %dma_wait3A_148] : memref<2x7x1280xf32, #tpu.memory_space<vmem>> -> memref<1x7x1280xf32, #tpu.memory_space<vmem>>
      %dma_wait3A_150 = tpu.memref_squeeze %dma_wait3A_149 : memref<1x7x1280xf32, #tpu.memory_space<vmem>> -> memref<7x1280xf32, #tpu.memory_space<vmem>>
      tpu.wait_dma2 semaphore(%arg13 : memref<!tpu.dma_semaphore, #tpu.memory_space<semaphore_mem>>) src(%dma_wait3A_150 : memref<7x1280xf32, #tpu.memory_space<vmem>>) dst(%dma_wait3A_146 : memref<7x1280xf32, #tpu.memory_space<hbm>>)
      %dma_wait3A_151 = arith.constant 1 : i32
      %dma_wait3A_152 = arith.constant 0 : i32
      %dma_wait3A_153 = arith.constant 0 : i32
      %dma_wait3A_154 = tpu.memref_slice %arg9[%dma_wait3A_151, %dma_wait3A_152, %dma_wait3A_153] : memref<2x16x1280xf32, #tpu.memory_space<vmem>> -> memref<1x16x1280xf32, #tpu.memory_space<vmem>>
      %dma_wait3A_155 = tpu.memref_squeeze %dma_wait3A_154 : memref<1x16x1280xf32, #tpu.memory_space<vmem>> -> memref<16x1280xf32, #tpu.memory_space<vmem>>
      %dma_wait3A_156 = arith.constant 0 : i32
      %dma_wait3A_157 = tpu.memref_slice %arg5[%dma_wait3A_156, %mul3A_138] : memref<23x1600000xf32, #tpu.memory_space<hbm>> -> memref<16x1280xf32, #tpu.memory_space<hbm>>
      %dma_wait3A_158 = arith.constant 0 : i32
      %dma_wait3A_159 = tpu.memref_slice %arg5[%dma_wait3A_158, %mul3A_138] : memref<23x1600000xf32, #tpu.memory_space<hbm>> -> memref<16x1280xf32, #tpu.memory_space<hbm>>
      %dma_wait3A_160 = arith.constant 0 : i32
      %dma_wait3A_161 = arith.constant 0 : i32
      %dma_wait3A_162 = tpu.memref_slice %arg9[%dma_wait3A_151, %dma_wait3A_160, %dma_wait3A_161] : memref<2x16x1280xf32, #tpu.memory_space<vmem>> -> memref<1x16x1280xf32, #tpu.memory_space<vmem>>
      %dma_wait3A_163 = tpu.memref_squeeze %dma_wait3A_162 : memref<1x16x1280xf32, #tpu.memory_space<vmem>> -> memref<16x1280xf32, #tpu.memory_space<vmem>>
      tpu.wait_dma2 semaphore(%arg13 : memref<!tpu.dma_semaphore, #tpu.memory_space<semaphore_mem>>) src(%dma_wait3A_163 : memref<16x1280xf32, #tpu.memory_space<vmem>>) dst(%dma_wait3A_159 : memref<16x1280xf32, #tpu.memory_space<hbm>>)
    } else {
    }
    %ge3A_106 = arith.constant 2 : i32
    %ge3A_107 = arith.cmpi sge, %select_n3A, %ge3A_106 : i32
    %sub3A_108 = arith.constant 2 : i32
    %sub3A_109 = arith.subi %select_n3A, %sub3A_108 : i32
    %jit3A_110 = arith.constant 2 : i32
    %eq3A_111 = arith.constant 0 : i32
    %eq3A_112 = arith.cmpi eq, %jit3A_110, %eq3A_111 : i32
    %jit3A_113 = arith.constant 1 : i32
    %select_n3A_114 = arith.select %eq3A_112, %jit3A_113, %jit3A_110 : i32
    %rem3A_115 = arith.remsi %sub3A_109, %select_n3A_114 : i32
    %ne3A_116 = arith.constant 0 : i32
    %ne3A_117 = arith.cmpi ne, %rem3A_115, %ne3A_116 : i32
    %lt3A_118 = arith.constant 0 : i32
    %lt3A_119 = arith.cmpi slt, %rem3A_115, %lt3A_118 : i32
    %lt3A_120 = arith.constant 0 : i32
    %lt3A_121 = arith.cmpi slt, %select_n3A_114, %lt3A_120 : i32
    %ne3A_122 = arith.xori %lt3A_119, %lt3A_121 : i1
    %and3A_123 = arith.andi %ne3A_122, %ne3A_117 : i1
    %add3A_124 = arith.addi %rem3A_115, %select_n3A_114 : i32
    %select_n3A_125 = arith.select %and3A_123, %add3A_124, %rem3A_115 : i32
    %eq3A_126 = arith.constant 1 : i32
    %eq3A_127 = arith.cmpi eq, %select_n3A_125, %eq3A_126 : i32
    %and3A_128 = arith.andi %ge3A_107, %eq3A_127 : i1
    %convert_element_type3A_129 = arith.extui %and3A_128 : i1 to i32
    %cond3A_130 = arith.constant 0 : i32
    %cond3A_131 = arith.cmpi ne, %convert_element_type3A_129, %cond3A_130 : i32
    scf.if %cond3A_131 {
      %sub3A_132 = arith.constant 2 : i32
      %sub3A_133 = arith.subi %select_n3A, %sub3A_132 : i32
      %mul3A_134 = arith.constant 32 : i32
      %mul3A_135 = arith.muli %sub3A_133, %mul3A_134 : i32
      %add3A_136 = arith.addi %add3A, %mul3A_135 : i32
      %mul3A_137 = arith.constant 1280 : i32
      %mul3A_138 = arith.muli %add3A_136, %mul3A_137 : i32
      %dma_wait3A = arith.constant 1 : i32
      %dma_wait3A_139 = arith.constant 0 : i32
      %dma_wait3A_140 = arith.constant 0 : i32
      %dma_wait3A_141 = tpu.memref_slice %arg8[%dma_wait3A, %dma_wait3A_139, %dma_wait3A_140] : memref<2x7x1280xf32, #tpu.memory_space<vmem>> -> memref<1x7x1280xf32, #tpu.memory_space<vmem>>
      %dma_wait3A_142 = tpu.memref_squeeze %dma_wait3A_141 : memref<1x7x1280xf32, #tpu.memory_space<vmem>> -> memref<7x1280xf32, #tpu.memory_space<vmem>>
      %dma_wait3A_143 = arith.constant 16 : i32
      %dma_wait3A_144 = tpu.memref_slice %arg5[%dma_wait3A_143, %mul3A_138] : memref<23x1600000xf32, #tpu.memory_space<hbm>> -> memref<7x1280xf32, #tpu.memory_space<hbm>>
      %dma_wait3A_145 = arith.constant 16 : i32
      %dma_wait3A_146 = tpu.memref_slice %arg5[%dma_wait3A_145, %mul3A_138] : memref<23x1600000xf32, #tpu.memory_space<hbm>> -> memref<7x1280xf32, #tpu.memory_space<hbm>>
      %dma_wait3A_147 = arith.constant 0 : i32
      %dma_wait3A_148 = arith.constant 0 : i32
      %dma_wait3A_149 = tpu.memref_slice %arg8[%dma_wait3A, %dma_wait3A_147, %dma_wait3A_148] : memref<2x7x1280xf32, #tpu.memory_space<vmem>> -> memref<1x7x1280xf32, #tpu.memory_space<vmem>>
      %dma_wait3A_150 = tpu.memref_squeeze %dma_wait3A_149 : memref<1x7x1280xf32, #tpu.memory_space<vmem>> -> memref<7x1280xf32, #tpu.memory_space<vmem>>
      tpu.wait_dma2 semaphore(%arg13 : memref<!tpu.dma_semaphore, #tpu.memory_space<semaphore_mem>>) src(%dma_wait3A_150 : memref<7x1280xf32, #tpu.memory_space<vmem>>) dst(%dma_wait3A_146 : memref<7x1280xf32, #tpu.memory_space<hbm>>)
      %dma_wait3A_151 = arith.constant 1 : i32
      %dma_wait3A_152 = arith.constant 0 : i32
      %dma_wait3A_153 = arith.constant 0 : i32
      %dma_wait3A_154 = tpu.memref_slice %arg9[%dma_wait3A_151, %dma_wait3A_152, %dma_wait3A_153] : memref<2x16x1280xf32, #tpu.memory_space<vmem>> -> memref<1x16x1280xf32, #tpu.memory_space<vmem>>
      %dma_wait3A_155 = tpu.memref_squeeze %dma_wait3A_154 : memref<1x16x1280xf32, #tpu.memory_space<vmem>> -> memref<16x1280xf32, #tpu.memory_space<vmem>>
      %dma_wait3A_156 = arith.constant 0 : i32
      %dma_wait3A_157 = tpu.memref_slice %arg5[%dma_wait3A_156, %mul3A_138] : memref<23x1600000xf32, #tpu.memory_space<hbm>> -> memref<16x1280xf32, #tpu.memory_space<hbm>>
      %dma_wait3A_158 = arith.constant 0 : i32
      %dma_wait3A_159 = tpu.memref_slice %arg5[%dma_wait3A_158, %mul3A_138] : memref<23x1600000xf32, #tpu.memory_space<hbm>> -> memref<16x1280xf32, #tpu.memory_space<hbm>>
      %dma_wait3A_160 = arith.constant 0 : i32
      %dma_wait3A_161 = arith.constant 0 : i32
      %dma_wait3A_162 = tpu.memref_slice %arg9[%dma_wait3A_151, %dma_wait3A_160, %dma_wait3A_161] : memref<2x16x1280xf32, #tpu.memory_space<vmem>> -> memref<1x16x1280xf32, #tpu.memory_space<vmem>>
      %dma_wait3A_163 = tpu.memref_squeeze %dma_wait3A_162 : memref<1x16x1280xf32, #tpu.memory_space<vmem>> -> memref<16x1280xf32, #tpu.memory_space<vmem>>
      tpu.wait_dma2 semaphore(%arg13 : memref<!tpu.dma_semaphore, #tpu.memory_space<semaphore_mem>>) src(%dma_wait3A_163 : memref<16x1280xf32, #tpu.memory_space<vmem>>) dst(%dma_wait3A_159 : memref<16x1280xf32, #tpu.memory_space<hbm>>)
    } else {
    }
    return
  }
}

</mosaic_0001>

<sc_bundles>
// kernel: kernel.3.cloned.1.call-start
scs
__scs_entry_jumppad:
0x0: {  	(pc) =	sbr.rel $0x88, $3  }
0x1: {  	(tag) =	ssettag $0x0;
	lr =	simm.s32 $0x1  }
0x2: {  	[smem:$0x3F9E] =	sst lr;
	_ =	strace $0xD0000000  }
0x3: {  	_ = 	snop  }
0x4: {  	_ = 	snop  }
0x5: {  	_ = 	snop  }
0x6: {  	_ = 	snop  }
0x7: {  	_ = 	snop  }
__scs_overlays_trampoline_lowered:
0x8: {  	[smem:$0x3FAD] =	sst s0  }
0x9: {  	[smem:$0x3FAE] =	sst s1  }
0xa: {  	[smem:$0x3FAF] =	sst s2  }
0xb: {  	[smem:$0x3FB0] =	sst s3  }
0xc: {  	[smem:$0x3FB1] =	sst s4  }
0xd: {  	[smem:$0x3FB2] =	sst s5  }
0xe: {  	[smem:$0x3FB3] =	sst s6  }
0xf: {  	[smem:$0x3FB4] =	sst s7  }
0x10: {  	[smem:$0x3FB5] =	sst s8  }
0x11: {  	[smem:$0x3FB6] =	sst s9;
	s0 =	simm.s32 @!p0 $0x0  }
0x12: {  	s1 =	sld [smem:$0x3F9C];
	s0 =	simm.s32 @p0 $0x1  }
0x13: {  	[smem:$0x3FB7] =	sst s0;
	s0 =	simm.s32 @!p1 $0x0  }
0x14: {  	s2 =	sld [smem:$0x3F9B];
	s0 =	simm.s32 @p1 $0x1  }
0x15: {  	[smem:$0x3FB8] =	sst s0;
	s0 =	simm.s32 @!p2 $0x0  }
0x16: {  	s3 =	sld [smem:$0x3FDB];
	s0 =	simm.s32 @p2 $0x1  }
0x17: {  	s4 =	simm.s32 $0x1BF5;
	[smem:$0x3FBA] =	sst s0  }
0x18: {  	s0 =	sld [smem:$0x3F9D];
	_ =	swait.ge [sflag:s4], $0x0  }
0x19: {  	s7 =	sld [smem:$0x3F9E]  }
0x1a: {  	s8 =	sadd.s32 $0xFFFFE003, lr  }
0x1b: {  	s9 =	sadd.s32 $0xFFFFFEF7, lr;
	s5 =	simm.s32 $0xFFFFFFFF;
	p2 =	slt.u32 s8, $0xFFFFF086  }
0x1c: {  	p1 =	slt.u32 s9, $0xF7A;
	s5 =	simm.s32 @!p2 $0x0  }
0x1d: {  	s5 =	simm.s32 @p1 $0x1;
	p0 =	seq.s32 s7, s2  }
0x1e: {  	s7 =	smul.u32 @!p0 $0xF7A, s2;
	p2 =	seq.s32 @!p0 s5, $0x0  }
0x1f: {  	s9 =	smul.u32 $0xF7A, s1;
	s8 =	simm.s32 @!p0 $0x1BF5;
	p2 =	por !p2, p0  }
0x20: {  	[sflag:s8] =	ssyncset.s32 @!p0 $0xFFFFF086;
	s6 =	sadd.s32 @!p0 s3, s7;
	s7 =	simm.s32 @!p0 $0x108  }
0x21: {  	s3 =	sadd.s32 s3, s9;
	s6 =	sadd.s32 @!p0 $0x88, s6;
	s7 =	simm.s32 @p2 $0x1082  }
0x22: {  	[simem:s7], [sflag:s8] =	dma.local @!p0 [hbm:s6], $0xF7A  }
0x23: {  	s9 =	sor.u32 $0xD0000000, s2;
	s6 =	simm.s32 $0x108;
	_ =	swait.ge @!p0 [sflag:s8], $0x0  }
0x24: {  	s3 =	sadd.s32 $0x88, s3;
	s6 =	simm.s32 @!p1 $0x1082;
	[sflag:s4] =	ssyncset.s32 $0xFFFFF086  }
0x25: {  	[simem:s6], [sflag:s4] =	dma.local [hbm:s3], $0xF7A  }
0x26: {  	[smem:$0x3F9E] =	sst s1;
	(tag) =	ssettag s2;
	_ =	strace s9  }
0x27: {  	s1 =	sld [smem:$0x3FAE]  }
0x28: {  	s2 =	sld [smem:$0x3FAF]  }
0x29: {  	s4 =	sld [smem:$0x3FB1]  }
0x2a: {  	p0 =	seq.s32 s5, $0x0;
	s5 =	sld [smem:$0x3FB2]  }
0x2b: {  	s6 =	sld [smem:$0x3FB3]  }
0x2c: {  	s7 =	sld [smem:$0x3FB4]  }
0x2d: {  	s3 =	simm.s32 $0x108;
	s8 =	sld [smem:$0x3FB5]  }
0x2e: {  	s3 =	simm.s32 @!p0 $0x1082;
	s9 =	sld [smem:$0x3FB6]  }
0x2f: {  	lr =	sadd.s32 s0, s3;
	s0 =	sld [smem:$0x3FAD]  }
0x30: {  	s3 =	sld [smem:$0x3FB0]  }
0x31: {  	[smem:$0x3FB9] =	sst s10  }
0x32: {  	s10 =	sld [smem:$0x3FB7];
	_ =	sdelay $0x3  }
0x33: {  	p0 =	seq.s32 s10, $0x1;
	s10 =	sld [smem:$0x3FB9];
	_ =	sdelay $0x3  }
0x34: {  	[smem:$0x3FB9] =	sst s10  }
0x35: {  	s10 =	sld [smem:$0x3FB8];
	_ =	sdelay $0x3  }
0x36: {  	p1 =	seq.s32 s10, $0x1;
	s10 =	sld [smem:$0x3FB9];
	_ =	sdelay $0x3  }
0x37: {  	[smem:$0x3FB9] =	sst s10  }
0x38: {  	s10 =	sld [smem:$0x3FBA]  }
0x39: {  	_ = 	snop;
	(pc) =	sbr.ind lr, $3  }
0x3a: {  	_ = 	snop  }
0x3b: {  	_ = 	snop  }
0x3c: {  	p2 =	seq.s32 s10, $0x1;
	s10 =	sld [smem:$0x3FB9]  }
0x3d: {  	_ =	shalt  }
0x3e: {  	_ =	shalt  }
0x3f: {  	_ =	shalt  }
0x40: {  	_ =	shalt  }
0x41: {  	_ =	shalt  }
0x42: {  	_ =	shalt  }
0x43: {  	_ =	shalt  }
0x44: {  	_ =	shalt  }
0x45: {  	_ =	shalt  }
0x46: {  	_ =	shalt  }
0x47: {  	_ =	shalt  }
0x48: {  	_ =	shalt  }
0x49: {  	_ =	shalt  }
0x4a: {  	_ =	shalt  }
0x4b: {  	_ =	shalt  }
0x4c: {  	_ =	shalt  }
0x4d: {  	_ =	shalt  }
0x4e: {  	_ =	shalt  }
0x4f: {  	_ =	shalt  }
0x50: {  	_ =	shalt  }
0x51: {  	_ =	shalt  }
0x52: {  	_ =	shalt  }
0x53: {  	_ =	shalt  }
0x54: {  	_ =	shalt  }
0x55: {  	_ =	shalt  }
0x56: {  	_ =	shalt  }
0x57: {  	_ =	shalt  }
0x58: {  	_ =	shalt  }
0x59: {  	_ =	shalt  }
0x5a: {  	_ =	shalt  }
0x5b: {  	_ =	shalt  }
0x5c: {  	_ =	shalt  }
0x5d: {  	_ =	shalt  }
0x5e: {  	_ =	shalt  }
0x5f: {  	_ =	shalt  }
0x60: {  	_ =	shalt  }
0x61: {  	_ =	shalt  }
0x62: {  	_ =	shalt  }
0x63: {  	_ =	shalt  }
0x64: {  	_ =	shalt  }
0x65: {  	_ =	shalt  }
0x66: {  	_ =	shalt  }
0x67: {  	_ =	shalt  }
0x68: {  	_ =	shalt  }
0x69: {  	_ =	shalt  }
0x6a: {  	_ =	shalt  }
0x6b: {  	_ =	shalt  }
0x6c: {  	_ =	shalt  }
0x6d: {  	_ =	shalt  }
0x6e: {  	_ =	shalt  }
0x6f: {  	_ =	shalt  }
0x70: {  	_ =	shalt  }
0x71: {  	_ =	shalt  }
0x72: {  	_ =	shalt  }
0x73: {  	_ =	shalt  }
0x74: {  	_ =	shalt  }
0x75: {  	_ =	shalt  }
0x76: {  	_ =	shalt  }
0x77: {  	_ =	shalt  }
0x78: {  	_ =	shalt  }
0x79: {  	_ =	shalt  }
0x7a: {  	_ =	shalt  }
0x7b: {  	_ =	shalt  }
0x7c: {  	_ =	shalt  }
0x7d: {  	_ =	shalt  }
0x7e: {  	_ =	shalt  }
0x7f: {  	_ =	shalt  }
0x80: {  	_ =	shalt  }
0x81: {  	_ =	shalt  }
0x82: {  	_ =	shalt  }
0x83: {  	_ =	shalt  }
0x84: {  	_ =	shalt  }
0x85: {  	_ =	shalt  }
0x86: {  	_ =	shalt  }
0x87: {  	_ =	shalt  }
.Lfunc_end0:
.L_simem_size_0:
called_computation_lowered:
.L_overlay_start_0:
0x88: {  	s2 =	sld [smem:$0x3FD9]  }
0x89: {  	s3 =	sld [smem:$0x3FFE];
	_ =	sdelay $0x1  }
0x8a: {  	s1 =	srdreg.scid  }
0x8b: {  	s0 =	sand.u32 $0x1, s1  }
0x8c: {  	s18 =	sshll.u32 s0, $0xA;
	s2 =	sadd.s32 s3, s2  }
0x8d: {  	s2 =	sadd.s32 s2, s18  }
0x8e: {  	[smem:$0x3FC5] =	sst s2  }
0x8f: {  	_ = 	snop  }
0x90: {  	s2 =	sld [smem:$0x3FC9]  }
0x91: {  	s19 =	sld [smem:$0x3FC8]  }
0x92: {  	s4 =	sld [smem:$0x3FC7]  }
0x93: {  	s5 =	sld [smem:$0x3FD0];
	(tm) =	ssettm $0x1  }
0x94: {  	s6 =	sld [smem:$0x3FFB];
	_ =	sdelay $0x3  }
0x95: {  	_ =	strace s6  }
0x96: {  	s6 =	sld [smem:$0x3FFC];
	_ =	sdelay $0x3  }
0x97: {  	_ =	strace s6  }
0x98: {  	s6 =	sld [smem:$0x3FFD];
	_ =	sdelay $0x3  }
0x99: {  	_ =	strace s6  }
0x9a: {  	_ =	strace $0x8FFFFFFF  }
0x9b: {  	s20 =	sld [smem:$0x3FDB];
	_ =	sdelay $0x1  }
0x9c: {  	s7 =	simm.s32 $_scs_section_size  }
0x9d: {  	s8 =	simm.s32 $_size__tile_overlayer_lowered;
	s9 =	simm.s32 $_tile_overlayer_lowered  }
0x9e: {  	s23 =	simm.s32 $0x1BFF;
	s22 =	sshll.u32 s9, $0x1;
	s6 =	sadd.s32 s7, s20  }
0x9f: {  	s10 =	simm.s32 $0x0;
	s21 =	sshll.u32 s8, $0x1;
	s8 =	sadd.s32 s22, s6  }
0xa0: {  	[timem:s10], [sflag:s23] =	dma.local [hbm:s8], s21  }
0xa1: {  	_ =	swait.ge [sflag:s23], s21  }
0xa2: {  	s7 =	ssub.s32 $0x0, s21;
	[sflag:s23] =	ssyncset.done $0x0  }
0xa3: {  	[sflag:s23] =	ssyncadd.s32 s7;
	_ =	sdelay $0x1  }
0xa4: {  	s24 =	simm.s32 $0x1B8B  }
0xa5: {  	_ =	swait.ge [sflag:s24], $0x1  }
0xa6: {  	[sflag:s24] =	ssyncset.done $0x0  }
0xa7: {  	s25 =	simm.s32 $0x1B8E;
	[sflag:s24] =	ssyncadd.s32 $0xFFFFFFFF  }
0xa8: {  	s26 =	simm.s32 $execute0_lowered;
	[smem:$0x3FD2] =	sst s25  }
0xa9: {  	s7 =	sshll.u32 s26, $0x1;
	_ =	strace $0x80000046;
	[dreg:$0x1] =	wrdreg $0xFFFFFFFF  }
0xaa: {  	s28 =	simm.s32 $_size_execute0_lowered;
	s6 =	sadd.s32 s6, s7;
	[dreg:$0x0] =	wrdreg $0x0  }
0xab: {  	s7 =	sshll.u32 s28, $0x1;
	[dreg:$0x2] =	wrdreg s6  }
0xac: {  	[dreg:$0x3] =	wrdreg s7  }
0xad: {  	[dreg:$0x4] =	wrdreg $0xC0  }
0xae: {  	_ =	task [dreg:s10], $0x5FFFF  }
0xaf: {  	[dreg:$0x1] =	wrdreg $0xFFFFFFFF  }
0xb0: {  	[dreg:$0x0] =	wrdreg $0x60  }
0xb1: {  	[dreg:$0x2] =	wrdreg s2  }
0xb2: {  	[dreg:$0x3] =	wrdreg s19  }
0xb3: {  	[dreg:$0x4] =	wrdreg s4  }
0xb4: {  	[dreg:$0x5] =	wrdreg s5  }
0xb5: {  	[dreg:$0x6] =	wrdreg $0x9  }
0xb6: {  	_ =	task.clear_ibuf [dreg:s10], $0x7FFFF;
	_ =	strace $0x90000046  }
0xb7: {  	s29 =	simm.s32 $0x9;
	_ =	strace $0x80000048  }
0xb8: {  	_ =	swait.ge [sflag:s29], $0x1  }
0xb9: {  	[sflag:s29] =	ssyncadd.s32 $0xFFFFFFFF  }
0xba: {  	_ =	strace $0x90000048  }
0xbb: {  	_ =	sfence  }
0xbc: {  	s30 =	sld [smem:$0x0];
	_ =	sdelay $0x2  }
0xbd: {  	s31 =	sshll.u32 s1, $0xD;
	s1 =	sshrl.u32 s1, $0x2  }
0xbe: {  	s3 =	sand.u32 $0x4000, s31;
	s1 =	sadd.s32 s1, s30  }
0xbf: {  	s0 =	sor.u32 s3, s0;
	s1 =	sshll.u32 s1, $0x11  }
0xc0: {  	s0 =	sor.u32 s1, s0  }
0xc1: {  	s0 =	sadd.s32 $0x8F2B, s0  }
0xc2: {  	[sflag:s0] =	ssyncadd.remote.s32 $0x1  }
0xc3: {  	_ =	sfence.sel $0xFFFF  }
0xc4: {  	[dreg:$0x0] =	wrdreg $0xFFFFFFFF;
	(pc) =	sbr.abs _section_cstart, $3  }
0xc5: {  	[dreg:$0x1] =	wrdreg $0xFFFFFFFF  }
0xc6: {  	_ =	task.clear_ibuf [dreg:s10], $0x2FFFF;
	_ =	strace $0x9FFFFFFF  }
0xc7: {  	(tm) =	ssettm $0x7FFFFFFF  }
tec
execute0_lowered:
.L_overlay_start_1:
0x0: {  	(tag) =	ssettag $0x1  }
0x1: {  	s1 =	rddreg [dreg:$0x0]  }
0x2: {  	s2 =	rddreg [dreg:$0x1]  }
0x3: {  	s4 =	rddreg [dreg:$0x2];
	s0 =	srdreg.scid  }
0x4: {  	s3 =	stileid.u32;
	s5 =	rddreg [dreg:$0x3]  }
0x5: {  	s7 =	simm.s32 $0x0;
	s0 =	sand.u32 $0x1, s0;
	s3 =	sshll.u32 s3, $0x1  }
0x6: {  	[smem:$0x7FF] =	sst s7;
	s6 =	sor.u32 s0, s3  }
0x7: {  	s0 =	ssub.s32 $0x2, s0;
	_ =	strace $0x80000047;
	s9 =	smul.u32 $0x500, s6  }
0x8: {  	s3 =	smul.u32 $0xA0, s6;
	s8 =	sshrl.u32 s0, $0x1;
	s26 =	sor.u32 $0x40, s6  }
0x9: {  	s0 =	ssub.s32 s0, s8;
	[dreg:$0x8] =	wrdreg s26;
	s9 =	sadd.s32 s4, s9  }
0xa: {  	s0 =	smax.u32 s0, $0x1;
	[dreg:$0x7] =	wrdreg s9  }
0xb: {  	s25 =	sadd.s32 s1, s3;
	[dreg:$0x9] =	wrdreg s0  }
0xc: {  	s3 =	sadd.s32 s2, s3;
	[dreg:$0x5] =	wrdreg s25  }
0xd: {  	s9 =	sadd.s32 $0x10, s25;
	[dreg:$0x6] =	wrdreg s3  }
0xe: {  	s10 =	sadd.s32 $0x20, s25;
	[dreg:$0xa] =	wrdreg s9  }
0xf: {  	s11 =	sadd.s32 $0x30, s25;
	[dreg:$0xb] =	wrdreg s10  }
0x10: {  	s12 =	sadd.s32 $0x40, s25;
	[dreg:$0xc] =	wrdreg s11  }
0x11: {  	s13 =	sadd.s32 $0x50, s25;
	[dreg:$0xd] =	wrdreg s12  }
0x12: {  	s14 =	sadd.s32 $0x60, s25;
	[dreg:$0xe] =	wrdreg s13  }
0x13: {  	s15 =	sadd.s32 $0x70, s25;
	[dreg:$0xf] =	wrdreg s14  }
0x14: {  	s16 =	sadd.s32 $0x80, s25;
	[dreg:$0x10] =	wrdreg s15  }
0x15: {  	s17 =	sadd.s32 $0x90, s25;
	[dreg:$0x11] =	wrdreg s16  }
0x16: {  	s18 =	sadd.s32 $0x10, s3;
	[dreg:$0x12] =	wrdreg s17  }
0x17: {  	s19 =	sadd.s32 $0x20, s3;
	[dreg:$0x13] =	wrdreg s18  }
0x18: {  	s29 =	simm.s32 $0x2800;
	s20 =	sadd.s32 $0x30, s3;
	[dreg:$0x14] =	wrdreg s19  }
0x19: {  	s30 =	simm.s32 $0xC35000;
	s21 =	sadd.s32 $0x40, s3;
	[dreg:$0x15] =	wrdreg s20  }
0x1a: {  	s31 =	simm.s32 $0x6400;
	s22 =	sadd.s32 $0x50, s3;
	[dreg:$0x16] =	wrdreg s21  }
0x1b: {  	s28 =	simm.s32 $0xB400;
	s23 =	sadd.s32 $0x60, s3;
	[dreg:$0x17] =	wrdreg s22  }
0x1c: {  	s8 =	simm.s32 $0x1400;
	s24 =	sadd.s32 $0x70, s3;
	[dreg:$0x18] =	wrdreg s23  }
0x1d: {  	s25 =	sadd.s32 $0x80, s3;
	s26 =	sadd.s32 $0x90, s3;
	[dreg:$0x19] =	wrdreg s24  }
.Ltmp0:
0x1e: {  	s3 =	simm.s32 $0x2;
	[dreg:$0x1a] =	wrdreg s25;
	(pc) =	sbr.rel .LBB2_1-.Ltmp0, $4  }
0x1f: {  	s0 =	simm.s32 $0x3C00;
	[dreg:$0x1b] =	wrdreg s26;
	s20 =	simm.s32 $0xD80  }
0x20: {  	s21 =	simm.s32 $0xE80;
	s22 =	simm.s32 $0xF80;
	s23 =	simm.s32 $0x1080  }
0x21: {  	s24 =	simm.s32 $0x1180;
	s25 =	simm.s32 $0x1280;
	s26 =	simm.s32 $0x1380  }
0x22: {  	v0 =	vimm.s32 $0x0;
	v1 =	vimm.f32 $0.0e+00;
	s11 =	simm.s32 $0x1;
	s9 =	simm.s32 $0x3;
	s13 =	simm.s32 $0x0  }
.LBB2_13:
0x23: {  	_ =	swait.ge [sflag:s9], $0x2800  }
0x24: {  	[sflag:s9] =	ssyncset.done $0x0  }
0x25: {  	[sflag:s9] =	ssyncadd.s32 $0xFFFFD800  }
0x26: {  	_ =	swait.ge [sflag:s9], $0x5000  }
0x27: {  	[sflag:s9] =	ssyncset.done $0x0  }
0x28: {  	s12 =	simm.s32 $0x4;
	[sflag:s9] =	ssyncadd.s32 $0xFFFFB000  }
0x29: {  	_ =	swait.ge [sflag:s12], $0x2800  }
0x2a: {  	[sflag:s12] =	ssyncset.done $0x0  }
0x2b: {  	[sflag:s12] =	ssyncadd.s32 $0xFFFFD800  }
0x2c: {  	_ =	swait.ge [sflag:s12], $0x5000  }
0x2d: {  	s13 =	rddreg [dreg:$0x1c]  }
0x2e: {  	s10 =	rddreg [dreg:$0x9];
	s13 =	sadd.s32 $0x1, s13  }
0x2f: {  	p0 =	sne.s32 s13, s10  }
.Ltmp1:
0x30: {  	_ = 	snop;
	(pc) =	sbr.rel @!p0 .LBB2_14-.Ltmp1, $3  }
0x31: {  	_ =	sdelay $0x1  }
0x32: {  	[sflag:s12] =	ssyncset.done $0x0  }
0x33: {  	[sflag:s12] =	ssyncadd.s32 $0xFFFFB000  }
.LBB2_1:
0x34: {  	[dreg:$0x1c] =	wrdreg s13  }
0x35: {  	s10 =	rddreg [dreg:$0x5]  }
0x36: {  	[tilespmem:s7], [sflag:$0x1] =	stream.linear.gather [hbm4b:s10+s7], $0x80, $0x38;
	[tilespmem:$0x10400] =	vst v63  }
0x37: {  	s13 =	rddreg [dreg:$0xa];
	s12 =	simm.s32 $0x100  }
0x38: {  	[tilespmem:s12], [sflag:$0x1] =	stream.linear.gather [hbm4b:s13+s7], $0x80, $0x38;
	[tilespmem:$0x10400] =	vst v63  }
0x39: {  	s14 =	rddreg [dreg:$0xb];
	s15 =	simm.s32 $0x200  }
0x3a: {  	[tilespmem:s15], [sflag:$0x1] =	stream.linear.gather [hbm4b:s14+s7], $0x80, $0x38;
	[tilespmem:$0x10400] =	vst v63  }
0x3b: {  	s16 =	rddreg [dreg:$0xc];
	s17 =	simm.s32 $0x300  }
0x3c: {  	[tilespmem:s17], [sflag:$0x1] =	stream.linear.gather [hbm4b:s16+s7], $0x80, $0x38;
	[tilespmem:$0x10400] =	vst v63  }
0x3d: {  	s18 =	rddreg [dreg:$0xd];
	s19 =	simm.s32 $0x400  }
0x3e: {  	[tilespmem:s19], [sflag:$0x1] =	stream.linear.gather [hbm4b:s18+s7], $0x80, $0x38;
	[tilespmem:$0x10400] =	vst v63  }
0x3f: {  	s12 =	rddreg [dreg:$0xe];
	s13 =	simm.s32 $0x500  }
0x40: {  	[tilespmem:s13], [sflag:$0x1] =	stream.linear.gather [hbm4b:s12+s7], $0x80, $0x38;
	[tilespmem:$0x10400] =	vst v63  }
0x41: {  	s14 =	rddreg [dreg:$0xf];
	s15 =	simm.s32 $0x600  }
0x42: {  	[tilespmem:s15], [sflag:$0x1] =	stream.linear.gather [hbm4b:s14+s7], $0x80, $0x38;
	[tilespmem:$0x10400] =	vst v63  }
0x43: {  	s16 =	rddreg [dreg:$0x10];
	s17 =	simm.s32 $0x700  }
0x44: {  	[tilespmem:s17], [sflag:$0x1] =	stream.linear.gather [hbm4b:s16+s7], $0x80, $0x38;
	[tilespmem:$0x10400] =	vst v63  }
0x45: {  	s18 =	rddreg [dreg:$0x11];
	s19 =	simm.s32 $0x800  }
0x46: {  	[tilespmem:s19], [sflag:$0x1] =	stream.linear.gather [hbm4b:s18+s7], $0x80, $0x38;
	[tilespmem:$0x10400] =	vst v63  }
0x47: {  	s12 =	rddreg [dreg:$0x12];
	s13 =	simm.s32 $0x900  }
0x48: {  	[tilespmem:s13], [sflag:$0x1] =	stream.linear.gather [hbm4b:s12+s7], $0x80, $0x38;
	[tilespmem:$0x10400] =	vst v63  }
0x49: {  	s14 =	rddreg [dreg:$0x6];
	s15 =	simm.s32 $0xA00  }
0x4a: {  	[tilespmem:s15], [sflag:$0x1] =	stream.linear.gather [hbm4b:s14+s7], $0x80, $0x38;
	[tilespmem:$0x10400] =	vst v63  }
0x4b: {  	s16 =	rddreg [dreg:$0x13];
	s17 =	simm.s32 $0xB00  }
0x4c: {  	[tilespmem:s17], [sflag:$0x1] =	stream.linear.gather [hbm4b:s16+s7], $0x80, $0x38;
	[tilespmem:$0x10400] =	vst v63  }
0x4d: {  	s18 =	rddreg [dreg:$0x14];
	s19 =	simm.s32 $0xC00  }
0x4e: {  	[tilespmem:s19], [sflag:$0x1] =	stream.linear.gather [hbm4b:s18+s7], $0x80, $0x38;
	[tilespmem:$0x10400] =	vst v63  }
0x4f: {  	s12 =	rddreg [dreg:$0x15];
	s13 =	simm.s32 $0xD00  }
0x50: {  	[tilespmem:s13], [sflag:$0x1] =	stream.linear.gather [hbm4b:s12+s7], $0x80, $0x38;
	[tilespmem:$0x10400] =	vst v63  }
0x51: {  	s14 =	rddreg [dreg:$0x16];
	s15 =	simm.s32 $0xE00  }
0x52: {  	[tilespmem:s15], [sflag:$0x1] =	stream.linear.gather [hbm4b:s14+s7], $0x80, $0x38;
	[tilespmem:$0x10400] =	vst v63  }
0x53: {  	s16 =	rddreg [dreg:$0x17];
	s17 =	simm.s32 $0xF00  }
0x54: {  	[tilespmem:s17], [sflag:$0x1] =	stream.linear.gather [hbm4b:s16+s7], $0x80, $0x38;
	[tilespmem:$0x10400] =	vst v63  }
0x55: {  	s18 =	rddreg [dreg:$0x18];
	s19 =	simm.s32 $0x1000  }
0x56: {  	[tilespmem:s19], [sflag:$0x1] =	stream.linear.gather [hbm4b:s18+s7], $0x80, $0x38;
	[tilespmem:$0x10400] =	vst v63  }
0x57: {  	s13 =	rddreg [dreg:$0x19];
	s14 =	simm.s32 $0x1100  }
0x58: {  	[tilespmem:s14], [sflag:$0x1] =	stream.linear.gather [hbm4b:s13+s7], $0x80, $0x38;
	[tilespmem:$0x10400] =	vst v63  }
0x59: {  	s15 =	rddreg [dreg:$0x1a];
	s16 =	simm.s32 $0x1200  }
0x5a: {  	[tilespmem:s16], [sflag:$0x1] =	stream.linear.gather [hbm4b:s15+s7], $0x80, $0x38;
	[tilespmem:$0x10400] =	vst v63  }
.Ltmp2:
0x5b: {  	_ = 	snop;
	(pc) =	sbr.rel .LBB2_2-.Ltmp2, $4  }
0x5c: {  	s17 =	rddreg [dreg:$0x1b];
	s18 =	simm.s32 $0x1300  }
0x5d: {  	[tilespmem:s18], [sflag:$0x1] =	stream.linear.gather [hbm4b:s17+s7], $0x80, $0x38;
	[tilespmem:$0x10400] =	vst v63  }
0x5e: {  	s10 =	simm.s32 $0x0;
	s19 =	rddreg [dreg:$0x7]  }
0x5f: {  	[tilespmem:s31], [sflag:$0x1] =	stream.strided.gather [hbm4b:s19+s29], $0x5000, s30, s29, $0x38;
	[tilespmem:$0x10400] =	vst v63  }
.LBB2_12:
0x60: {  	s10 =	sadd.s32 $0x1, s10  }
0x61: {  	p0 =	sne.s32 s10, $0x14  }
.Ltmp3:
0x62: {  	_ = 	snop;
	(pc) =	sbr.rel @!p0 .LBB2_13-.Ltmp3, $1  }
0x63: {  	_ =	sdelay $0x3  }
.LBB2_2:
0x64: {  	s12 =	sshll.u32 s10, $0x6  }
0x65: {  	s13 =	sor.u32 s6, s12  }
0x66: {  	p0 =	sgt.u32 s13, $0x4C1  }
.Ltmp4:
0x67: {  	_ = 	snop;
	(pc) =	sbr.rel @p0 .LBB2_4-.Ltmp4, $1  }
0x68: {  	_ =	sdelay $0x3  }
0x69: {  	p0 =	seq.s32 s10, $0x0  }
0x6a: {  	s14 =	simm.s32 @!p0 $0x4  }
0x6b: {  	_ =	swait.ge @!p0 [sflag:s14], $0x2800  }
0x6c: {  	[sflag:s14] =	ssyncset.done @!p0 $0x0  }
0x6d: {  	s15 =	sor.u32 $0x20, s13;
	[sflag:s14] =	ssyncadd.s32 @!p0 $0xFFFFD800  }
0x6e: {  	s16 =	smul.u32 $0xA0, s15;
	_ =	swait.ge @!p0 [sflag:s14], $0x5000  }
0x6f: {  	[sflag:s14] =	ssyncset.done @!p0 $0x0  }
0x70: {  	s17 =	simm.s32 $0x80;
	[sflag:s14] =	ssyncadd.s32 @!p0 $0xFFFFB000;
	s14 =	sadd.s32 s1, s16  }
0x71: {  	[tilespmem:s17], [sflag:$0x2] =	stream.linear.gather [hbm4b:s14+s7], $0x80, $0x38;
	[tilespmem:$0x10400] =	vst v63  }
0x72: {  	s18 =	simm.s32 $0x180;
	s19 =	sadd.s32 $0x10, s14  }
0x73: {  	[tilespmem:s18], [sflag:$0x2] =	stream.linear.gather [hbm4b:s19+s7], $0x80, $0x38;
	[tilespmem:$0x10400] =	vst v63  }
0x74: {  	s18 =	sadd.s32 $0x20, s14;
	s19 =	simm.s32 $0x280  }
0x75: {  	[tilespmem:s19], [sflag:$0x2] =	stream.linear.gather [hbm4b:s18+s7], $0x80, $0x38;
	[tilespmem:$0x10400] =	vst v63  }
0x76: {  	s18 =	sadd.s32 $0x30, s14;
	s19 =	simm.s32 $0x380  }
0x77: {  	[tilespmem:s19], [sflag:$0x2] =	stream.linear.gather [hbm4b:s18+s7], $0x80, $0x38;
	[tilespmem:$0x10400] =	vst v63  }
0x78: {  	s18 =	sadd.s32 $0x40, s14;
	s19 =	simm.s32 $0x480  }
0x79: {  	[tilespmem:s19], [sflag:$0x2] =	stream.linear.gather [hbm4b:s18+s7], $0x80, $0x38;
	[tilespmem:$0x10400] =	vst v63  }
0x7a: {  	s18 =	sadd.s32 $0x50, s14;
	s19 =	simm.s32 $0x580  }
0x7b: {  	[tilespmem:s19], [sflag:$0x2] =	stream.linear.gather [hbm4b:s18+s7], $0x80, $0x38;
	[tilespmem:$0x10400] =	vst v63  }
0x7c: {  	s18 =	sadd.s32 $0x60, s14;
	s19 =	simm.s32 $0x680  }
0x7d: {  	[tilespmem:s19], [sflag:$0x2] =	stream.linear.gather [hbm4b:s18+s7], $0x80, $0x38;
	[tilespmem:$0x10400] =	vst v63  }
0x7e: {  	s18 =	sadd.s32 $0x70, s14;
	s19 =	simm.s32 $0x780  }
0x7f: {  	[tilespmem:s19], [sflag:$0x2] =	stream.linear.gather [hbm4b:s18+s7], $0x80, $0x38;
	[tilespmem:$0x10400] =	vst v63  }
0x80: {  	s18 =	sadd.s32 $0x80, s14;
	s19 =	simm.s32 $0x880  }
0x81: {  	[tilespmem:s19], [sflag:$0x2] =	stream.linear.gather [hbm4b:s18+s7], $0x80, $0x38;
	[tilespmem:$0x10400] =	vst v63  }
0x82: {  	s14 =	sadd.s32 $0x90, s14;
	s19 =	simm.s32 $0x980  }
0x83: {  	[tilespmem:s19], [sflag:$0x2] =	stream.linear.gather [hbm4b:s14+s7], $0x80, $0x38;
	[tilespmem:$0x10400] =	vst v63  }
0x84: {  	s17 =	simm.s32 $0xA80;
	s14 =	sadd.s32 s2, s16  }
0x85: {  	[tilespmem:s17], [sflag:$0x2] =	stream.linear.gather [hbm4b:s14+s7], $0x80, $0x38;
	[tilespmem:$0x10400] =	vst v63  }
0x86: {  	s19 =	simm.s32 $0xB80;
	s18 =	sadd.s32 $0x10, s14  }
0x87: {  	[tilespmem:s19], [sflag:$0x2] =	stream.linear.gather [hbm4b:s18+s7], $0x80, $0x38;
	[tilespmem:$0x10400] =	vst v63  }
0x88: {  	s17 =	sadd.s32 $0x20, s14;
	s18 =	simm.s32 $0xC80  }
0x89: {  	[tilespmem:s18], [sflag:$0x2] =	stream.linear.gather [hbm4b:s17+s7], $0x80, $0x38;
	[tilespmem:$0x10400] =	vst v63  }
0x8a: {  	s19 =	sadd.s32 $0x30, s14  }
0x8b: {  	[tilespmem:s20], [sflag:$0x2] =	stream.linear.gather [hbm4b:s19+s7], $0x80, $0x38;
	[tilespmem:$0x10400] =	vst v63  }
0x8c: {  	s17 =	sadd.s32 $0x40, s14  }
0x8d: {  	[tilespmem:s21], [sflag:$0x2] =	stream.linear.gather [hbm4b:s17+s7], $0x80, $0x38;
	[tilespmem:$0x10400] =	vst v63  }
0x8e: {  	s18 =	sadd.s32 $0x50, s14  }
0x8f: {  	[tilespmem:s22], [sflag:$0x2] =	stream.linear.gather [hbm4b:s18+s7], $0x80, $0x38;
	[tilespmem:$0x10400] =	vst v63  }
0x90: {  	s19 =	sadd.s32 $0x60, s14  }
0x91: {  	[tilespmem:s23], [sflag:$0x2] =	stream.linear.gather [hbm4b:s19+s7], $0x80, $0x38;
	[tilespmem:$0x10400] =	vst v63  }
0x92: {  	s17 =	sadd.s32 $0x70, s14  }
0x93: {  	[tilespmem:s24], [sflag:$0x2] =	stream.linear.gather [hbm4b:s17+s7], $0x80, $0x38;
	[tilespmem:$0x10400] =	vst v63  }
0x94: {  	s18 =	sadd.s32 $0x80, s14  }
0x95: {  	[tilespmem:s25], [sflag:$0x2] =	stream.linear.gather [hbm4b:s18+s7], $0x80, $0x38;
	[tilespmem:$0x10400] =	vst v63  }
0x96: {  	s15 =	smul.u32 $0x500, s15;
	s14 =	sadd.s32 $0x90, s14  }
0x97: {  	[tilespmem:s26], [sflag:$0x2] =	stream.linear.gather [hbm4b:s14+s7], $0x80, $0x38;
	[tilespmem:$0x10400] =	vst v63  }
0x98: {  	s19 =	sadd.s32 s4, s15  }
0x99: {  	[tilespmem:s28], [sflag:$0x2] =	stream.strided.gather [hbm4b:s19+s29], $0x5000, s30, s29, $0x38;
	[tilespmem:$0x10400] =	vst v63  }
.LBB2_4:
0x9a: {  	_ =	swait.ge [sflag:s11], $0x500  }
0x9b: {  	[sflag:s11] =	ssyncset.done $0x0  }
0x9c: {  	[sflag:s11] =	ssyncadd.s32 $0xFFFFFB00  }
0x9d: {  	_ =	swait.ge [sflag:s11], $0x500  }
0x9e: {  	[sflag:s11] =	ssyncset.done $0x0  }
0x9f: {  	[sflag:s11] =	ssyncadd.s32 $0xFFFFFB00  }
0xa0: {  	s14 =	simm.s32 $0x0;
	s15 =	simm.s32 $0x0;
	_ =	swait.ge [sflag:s11], $0x5000  }
0xa1: {  	s14 =	sand.u32 $0x70, s14;
	s15 =	sand.u32 $0xFFFFFF00, s15;
	[sflag:s11] =	ssyncset.done $0x0  }
0xa2: {  	s15 =	sor.u32 s14, s15;
	[sflag:s11] =	ssyncadd.s32 $0xFFFFB000  }
0xa3: {  	v2 =	vld [tilespmem:s15+$0xA00]  }
0xa4: {  	v3 =	vld [tilespmem:s15+$0x0];
	_ =	sdelay $0x4  }
0xa5: {  	v2 =	vsub.s32 v3, v2  }
0xa6: {  	v3 =	vadd.s32 $0x6, v2  }
0xa7: {  	v2 =	vadd.s32 $0xB, v2;
	vm0 =	vgt.s32 v3, $0x0  }
0xa8: {  	vm9 =	vgt.s32 v2, $0x0;
	v3 =	vnsel vm0, $0x0, v3  }
0xa9: {  	v2 =	vmin.u32 v3, $0x6;
	v3 =	vsel vm9, $0x1, v0  }
0xaa: {  	s19 =	simm.s32 $0x0;
	v2 =	vadd.s32 v3, v2  }
0xab: {  	s15 =	sand.u32 $0x3FFFFC00, s19;
	vm10 =	veq.s32 v2, $0x0  }
0xac: {  	s18 =	sor.u32 s14, s15;
	vm1 =	veq.s32 v2, $0x1;
	v3 =	vsel vm10, $0x3F800000, v1  }
0xad: {  	vm12 =	veq.s32 v2, $0x3;
	v4 =	vsel vm1, $0x3F800000, v1;
	[tilespmem:s18+$0x1700] =	vst v3  }
0xae: {  	vm14 =	veq.s32 v2, $0x5;
	v62 =	vsel vm12, $0x3F800000, v1;
	[tilespmem:s18+$0x1680] =	vst v4  }
0xaf: {  	vm11 =	veq.s32 v2, $0x2;
	v63 =	vsel vm14, $0x3F800000, v1;
	[tilespmem:s18+$0x1580] =	vst v62  }
0xb0: {  	s16 =	simm.s32 $0x20;
	vm13 =	veq.s32 v2, $0x4;
	v3 =	vsel vm11, $0x3F800000, v1;
	[tilespmem:s18+$0x1480] =	vst v63  }
0xb1: {  	s19 =	sand.u32 $0xFFFFFF00, s16;
	s15 =	simm.s32 $0x10;
	vm15 =	veq.s32 v2, $0x6;
	[tilespmem:s18+$0x1600] =	vst v3;
	v3 =	vsel vm13, $0x3F800000, v1  }
0xb2: {  	s16 =	simm.s32 $0x2;
	s14 =	simm.s32 $0x1;
	s17 =	sand.u32 $0x70, s15;
	v2 =	vsel vm15, $0x3F800000, v1;
	[tilespmem:s18+$0x1500] =	vst v3  }
.LBB2_5:
0xb3: {  	p0 =	sne.s32 s16, $0x4F;
	s19 =	sor.u32 s17, s19;
	[tilespmem:s18+$0x1400] =	vst v2  }
0xb4: {  	v2 =	vld [tilespmem:s19+$0xA00]  }
0xb5: {  	v3 =	vld [tilespmem:s19+$0x0];
	_ =	sdelay $0x4  }
0xb6: {  	v2 =	vsub.s32 v3, v2  }
0xb7: {  	v3 =	vadd.s32 $0x6, v2  }
0xb8: {  	v2 =	vadd.s32 $0xB, v2;
	vm0 =	vgt.s32 v3, $0x0  }
0xb9: {  	v3 =	vnsel vm0, $0x0, v3;
	vm0 =	vgt.s32 v2, $0x0  }
0xba: {  	v2 =	vmin.u32 v3, $0x6;
	v3 =	vsel vm0, $0x1, v0  }
0xbb: {  	s18 =	sshll.u32 s14, $0x7;
	s14 =	smov.u32 s16;
	v2 =	vadd.s32 v3, v2  }
0xbc: {  	s18 =	sand.u32 $0x3FFFFC00, s18;
	vm0 =	veq.s32 v2, $0x2;
	vm1 =	veq.s32 v2, $0x1;
	vm2 =	veq.s32 v2, $0x0  }
0xbd: {  	s18 =	sor.u32 s17, s18;
	v3 =	vsel vm0, $0x3F800000, v1;
	v4 =	vsel vm1, $0x3F800000, v1;
	v5 =	vsel vm2, $0x3F800000, v1  }
0xbe: {  	vm0 =	veq.s32 v2, $0x5;
	vm1 =	veq.s32 v2, $0x4;
	vm2 =	veq.s32 v2, $0x3;
	[tilespmem:s18+$0x1700] =	vst v5  }
.Ltmp5:
0xbf: {  	v5 =	vsel vm0, $0x3F800000, v1;
	v6 =	vsel vm1, $0x3F800000, v1;
	v7 =	vsel vm2, $0x3F800000, v1;
	[tilespmem:s18+$0x1680] =	vst v4;
	(pc) =	sbr.rel @p0 .LBB2_5-.Ltmp5, $4  }
0xc0: {  	vm0 =	veq.s32 v2, $0x6;
	[tilespmem:s18+$0x1600] =	vst v3  }
0xc1: {  	v2 =	vsel vm0, $0x3F800000, v1;
	[tilespmem:s18+$0x1580] =	vst v7  }
0xc2: {  	s15 =	sadd.s32 $0x10, s15;
	s19 =	sshll.u32 s16, $0x5;
	[tilespmem:s18+$0x1500] =	vst v6  }
0xc3: {  	s17 =	sand.u32 $0x70, s15;
	s16 =	sadd.s32 $0x1, s16;
	s19 =	sand.u32 $0xFFFFFF00, s19;
	[tilespmem:s18+$0x1480] =	vst v5  }
0xc4: {  	s15 =	sor.u32 s17, s19;
	[tilespmem:s18+$0x1400] =	vst v2  }
0xc5: {  	v2 =	vld [tilespmem:s15+$0xA00]  }
0xc6: {  	v3 =	vld [tilespmem:s15+$0x0];
	_ =	sdelay $0x4  }
0xc7: {  	v2 =	vsub.s32 v3, v2  }
0xc8: {  	v3 =	vadd.s32 $0x6, v2  }
0xc9: {  	v2 =	vadd.s32 $0xB, v2;
	vm0 =	vgt.s32 v3, $0x0  }
0xca: {  	vm9 =	vgt.s32 v2, $0x0;
	v3 =	vnsel vm0, $0x0, v3  }
0xcb: {  	v2 =	vmin.u32 v3, $0x6;
	v3 =	vsel vm9, $0x1, v0  }
0xcc: {  	s14 =	sshll.u32 s14, $0x7;
	v2 =	vadd.s32 v3, v2  }
0xcd: {  	s14 =	sand.u32 $0x3FFFFC00, s14;
	vm10 =	veq.s32 v2, $0x0  }
0xce: {  	s14 =	sor.u32 s17, s14;
	vm1 =	veq.s32 v2, $0x1;
	v3 =	vsel vm10, $0x3F800000, v1  }
0xcf: {  	vm12 =	veq.s32 v2, $0x3;
	v4 =	vsel vm1, $0x3F800000, v1;
	[tilespmem:s14+$0x1700] =	vst v3  }
0xd0: {  	vm14 =	veq.s32 v2, $0x5;
	v62 =	vsel vm12, $0x3F800000, v1;
	[tilespmem:s14+$0x1680] =	vst v4  }
0xd1: {  	s18 =	smul.u32 $0x2800, s13;
	vm15 =	veq.s32 v2, $0x6;
	v63 =	vsel vm14, $0x3F800000, v1;
	[tilespmem:s14+$0x1580] =	vst v62  }
0xd2: {  	s13 =	sor.u32 $0x20, s13;
	vm11 =	veq.s32 v2, $0x2;
	vm13 =	veq.s32 v2, $0x4;
	v2 =	vsel vm15, $0x3F800000, v1;
	[tilespmem:s14+$0x1480] =	vst v63  }
0xd3: {  	p0 =	sgt.u32 s13, $0x4E1;
	s15 =	sshrl.u32 s18, $0x3;
	v3 =	vsel vm11, $0x3F800000, v1;
	[tilespmem:s14+$0x1400] =	vst v2  }
.Ltmp6:
0xd4: {  	s15 =	sadd.s32 s5, s15;
	[tilespmem:s14+$0x1600] =	vst v3;
	v3 =	vsel vm13, $0x3F800000, v1;
	(pc) =	sbr.rel @p0 .LBB2_12-.Ltmp6, $4  }
0xd5: {  	s19 =	sadd.s32 $0x30D400, s15;
	[tilespmem:s14+$0x1500] =	vst v3  }
0xd6: {  	[hbm4b:s19+s7] =	stream.linear.scatter [tilespmem:s8], [sflag:$0x3], $0x2800, $0x38;
	[tilespmem:$0x10400] =	vst v63  }
0xd7: {  	_ = 	snop  }
0xd8: {  	[hbm4b:s15+s29] =	stream.strided.scatter [tilespmem:s31], [sflag:$0x3], $0x5000, s30, s29, $0x38;
	[tilespmem:$0x10400] =	vst v63  }
0xd9: {  	p0 =	sgt.u32 s13, $0x4C1  }
.Ltmp7:
0xda: {  	_ = 	snop;
	(pc) =	sbr.rel @p0 .LBB2_9-.Ltmp7, $1  }
0xdb: {  	_ =	sdelay $0x3  }
0xdc: {  	_ =	swait.ge [sflag:s9], $0x2800  }
0xdd: {  	[sflag:s9] =	ssyncset.done $0x0;
	s14 =	rddreg [dreg:$0x8]  }
0xde: {  	[sflag:s9] =	ssyncadd.s32 $0xFFFFD800;
	s12 =	sadd.s32 s14, s12  }
0xdf: {  	_ =	swait.ge [sflag:s9], $0x5000;
	s14 =	smul.u32 $0xA0, s12  }
0xe0: {  	[sflag:s9] =	ssyncset.done $0x0  }
0xe1: {  	[sflag:s9] =	ssyncadd.s32 $0xFFFFB000;
	s15 =	sadd.s32 s1, s14  }
0xe2: {  	[tilespmem:s7], [sflag:$0x1] =	stream.linear.gather [hbm4b:s15+s7], $0x80, $0x38;
	[tilespmem:$0x10400] =	vst v63  }
0xe3: {  	s17 =	simm.s32 $0x100;
	s16 =	sadd.s32 $0x10, s15  }
0xe4: {  	[tilespmem:s17], [sflag:$0x1] =	stream.linear.gather [hbm4b:s16+s7], $0x80, $0x38;
	[tilespmem:$0x10400] =	vst v63  }
0xe5: {  	s19 =	simm.s32 $0x200;
	s18 =	sadd.s32 $0x20, s15  }
0xe6: {  	[tilespmem:s19], [sflag:$0x1] =	stream.linear.gather [hbm4b:s18+s7], $0x80, $0x38;
	[tilespmem:$0x10400] =	vst v63  }
0xe7: {  	s18 =	sadd.s32 $0x30, s15;
	s19 =	simm.s32 $0x300  }
0xe8: {  	[tilespmem:s19], [sflag:$0x1] =	stream.linear.gather [hbm4b:s18+s7], $0x80, $0x38;
	[tilespmem:$0x10400] =	vst v63  }
0xe9: {  	s18 =	sadd.s32 $0x40, s15;
	s19 =	simm.s32 $0x400  }
0xea: {  	[tilespmem:s19], [sflag:$0x1] =	stream.linear.gather [hbm4b:s18+s7], $0x80, $0x38;
	[tilespmem:$0x10400] =	vst v63  }
0xeb: {  	s18 =	sadd.s32 $0x50, s15;
	s19 =	simm.s32 $0x500  }
0xec: {  	[tilespmem:s19], [sflag:$0x1] =	stream.linear.gather [hbm4b:s18+s7], $0x80, $0x38;
	[tilespmem:$0x10400] =	vst v63  }
0xed: {  	s18 =	sadd.s32 $0x60, s15;
	s19 =	simm.s32 $0x600  }
0xee: {  	[tilespmem:s19], [sflag:$0x1] =	stream.linear.gather [hbm4b:s18+s7], $0x80, $0x38;
	[tilespmem:$0x10400] =	vst v63  }
0xef: {  	s18 =	sadd.s32 $0x70, s15;
	s19 =	simm.s32 $0x700  }
0xf0: {  	[tilespmem:s19], [sflag:$0x1] =	stream.linear.gather [hbm4b:s18+s7], $0x80, $0x38;
	[tilespmem:$0x10400] =	vst v63  }
0xf1: {  	s17 =	sadd.s32 $0x80, s15;
	s18 =	simm.s32 $0x800  }
0xf2: {  	[tilespmem:s18], [sflag:$0x1] =	stream.linear.gather [hbm4b:s17+s7], $0x80, $0x38;
	[tilespmem:$0x10400] =	vst v63  }
0xf3: {  	s15 =	sadd.s32 $0x90, s15;
	s19 =	simm.s32 $0x900  }
0xf4: {  	[tilespmem:s19], [sflag:$0x1] =	stream.linear.gather [hbm4b:s15+s7], $0x80, $0x38;
	[tilespmem:$0x10400] =	vst v63  }
0xf5: {  	s14 =	sadd.s32 s2, s14;
	s17 =	simm.s32 $0xA00  }
0xf6: {  	[tilespmem:s17], [sflag:$0x1] =	stream.linear.gather [hbm4b:s14+s7], $0x80, $0x38;
	[tilespmem:$0x10400] =	vst v63  }
0xf7: {  	s18 =	sadd.s32 $0x10, s14;
	s19 =	simm.s32 $0xB00  }
0xf8: {  	[tilespmem:s19], [sflag:$0x1] =	stream.linear.gather [hbm4b:s18+s7], $0x80, $0x38;
	[tilespmem:$0x10400] =	vst v63  }
0xf9: {  	s16 =	sadd.s32 $0x20, s14;
	s17 =	simm.s32 $0xC00  }
0xfa: {  	[tilespmem:s17], [sflag:$0x1] =	stream.linear.gather [hbm4b:s16+s7], $0x80, $0x38;
	[tilespmem:$0x10400] =	vst v63  }
0xfb: {  	s18 =	sadd.s32 $0x30, s14;
	s19 =	simm.s32 $0xD00  }
0xfc: {  	[tilespmem:s19], [sflag:$0x1] =	stream.linear.gather [hbm4b:s18+s7], $0x80, $0x38;
	[tilespmem:$0x10400] =	vst v63  }
0xfd: {  	s16 =	sadd.s32 $0x40, s14;
	s17 =	simm.s32 $0xE00  }
0xfe: {  	[tilespmem:s17], [sflag:$0x1] =	stream.linear.gather [hbm4b:s16+s7], $0x80, $0x38;
	[tilespmem:$0x10400] =	vst v63  }
0xff: {  	s18 =	sadd.s32 $0x50, s14;
	s19 =	simm.s32 $0xF00  }
0x100: {  	[tilespmem:s19], [sflag:$0x1] =	stream.linear.gather [hbm4b:s18+s7], $0x80, $0x38;
	[tilespmem:$0x10400] =	vst v63  }
0x101: {  	s16 =	sadd.s32 $0x60, s14;
	s17 =	simm.s32 $0x1000  }
0x102: {  	[tilespmem:s17], [sflag:$0x1] =	stream.linear.gather [hbm4b:s16+s7], $0x80, $0x38;
	[tilespmem:$0x10400] =	vst v63  }
0x103: {  	s18 =	sadd.s32 $0x70, s14;
	s19 =	simm.s32 $0x1100  }
0x104: {  	[tilespmem:s19], [sflag:$0x1] =	stream.linear.gather [hbm4b:s18+s7], $0x80, $0x38;
	[tilespmem:$0x10400] =	vst v63  }
0x105: {  	s17 =	sadd.s32 $0x80, s14;
	s18 =	simm.s32 $0x1200  }
0x106: {  	[tilespmem:s18], [sflag:$0x1] =	stream.linear.gather [hbm4b:s17+s7], $0x80, $0x38;
	[tilespmem:$0x10400] =	vst v63  }
0x107: {  	s12 =	smul.u32 $0x500, s12;
	s14 =	sadd.s32 $0x90, s14;
	s19 =	simm.s32 $0x1300  }
0x108: {  	[tilespmem:s19], [sflag:$0x1] =	stream.linear.gather [hbm4b:s14+s7], $0x80, $0x38;
	[tilespmem:$0x10400] =	vst v63  }
0x109: {  	s12 =	sadd.s32 s4, s12  }
0x10a: {  	[tilespmem:s31], [sflag:$0x1] =	stream.strided.gather [hbm4b:s12+s29], $0x5000, s30, s29, $0x38;
	[tilespmem:$0x10400] =	vst v63  }
.LBB2_9:
0x10b: {  	_ =	swait.ge [sflag:s3], $0x500  }
0x10c: {  	[sflag:s3] =	ssyncset.done $0x0  }
0x10d: {  	[sflag:s3] =	ssyncadd.s32 $0xFFFFFB00  }
0x10e: {  	_ =	swait.ge [sflag:s3], $0x500  }
0x10f: {  	[sflag:s3] =	ssyncset.done $0x0  }
0x110: {  	[sflag:s3] =	ssyncadd.s32 $0xFFFFFB00  }
0x111: {  	s12 =	simm.s32 $0x0;
	s14 =	simm.s32 $0x0;
	_ =	swait.ge [sflag:s3], $0x5000  }
0x112: {  	s12 =	sand.u32 $0x70, s12;
	s14 =	sand.u32 $0xFFFFFF00, s14;
	[sflag:s3] =	ssyncset.done $0x0  }
0x113: {  	s14 =	sor.u32 s12, s14;
	[sflag:s3] =	ssyncadd.s32 $0xFFFFB000  }
0x114: {  	v2 =	vld [tilespmem:s14+$0xA80]  }
0x115: {  	v3 =	vld [tilespmem:s14+$0x80];
	_ =	sdelay $0x4  }
0x116: {  	v2 =	vsub.s32 v3, v2  }
0x117: {  	v3 =	vadd.s32 $0x6, v2  }
0x118: {  	v2 =	vadd.s32 $0xB, v2;
	vm0 =	vgt.s32 v3, $0x0  }
0x119: {  	vm9 =	vgt.s32 v2, $0x0;
	v3 =	vnsel vm0, $0x0, v3  }
0x11a: {  	v2 =	vmin.u32 v3, $0x6;
	v3 =	vsel vm9, $0x1, v0  }
0x11b: {  	s19 =	simm.s32 $0x0;
	v2 =	vadd.s32 v3, v2  }
0x11c: {  	s14 =	sand.u32 $0x3FFFFC00, s19;
	vm10 =	veq.s32 v2, $0x0  }
0x11d: {  	s17 =	sor.u32 s12, s14;
	vm1 =	veq.s32 v2, $0x1;
	v3 =	vsel vm10, $0x3F800000, v1  }
0x11e: {  	vm12 =	veq.s32 v2, $0x3;
	v4 =	vsel vm1, $0x3F800000, v1;
	[tilespmem:s17+$0x3F00] =	vst v3  }
0x11f: {  	vm14 =	veq.s32 v2, $0x5;
	v62 =	vsel vm12, $0x3F800000, v1;
	[tilespmem:s17+$0x3E80] =	vst v4  }
0x120: {  	vm11 =	veq.s32 v2, $0x2;
	v63 =	vsel vm14, $0x3F800000, v1;
	[tilespmem:s17+$0x3D80] =	vst v62  }
0x121: {  	s15 =	simm.s32 $0x20;
	vm13 =	veq.s32 v2, $0x4;
	v3 =	vsel vm11, $0x3F800000, v1;
	[tilespmem:s17+$0x3C80] =	vst v63  }
0x122: {  	s18 =	sand.u32 $0xFFFFFF00, s15;
	s14 =	simm.s32 $0x10;
	vm15 =	veq.s32 v2, $0x6;
	[tilespmem:s17+$0x3E00] =	vst v3;
	v3 =	vsel vm13, $0x3F800000, v1  }
0x123: {  	s15 =	simm.s32 $0x2;
	s12 =	simm.s32 $0x1;
	s16 =	sand.u32 $0x70, s14;
	v2 =	vsel vm15, $0x3F800000, v1;
	[tilespmem:s17+$0x3D00] =	vst v3  }
.LBB2_10:
0x124: {  	p0 =	sne.s32 s15, $0x4F;
	s18 =	sor.u32 s16, s18;
	[tilespmem:s17+$0x3C00] =	vst v2  }
0x125: {  	v2 =	vld [tilespmem:s18+$0xA80]  }
0x126: {  	v3 =	vld [tilespmem:s18+$0x80];
	_ =	sdelay $0x4  }
0x127: {  	v2 =	vsub.s32 v3, v2  }
0x128: {  	v3 =	vadd.s32 $0x6, v2  }
0x129: {  	v2 =	vadd.s32 $0xB, v2;
	vm0 =	vgt.s32 v3, $0x0  }
0x12a: {  	v3 =	vnsel vm0, $0x0, v3;
	vm0 =	vgt.s32 v2, $0x0  }
0x12b: {  	v2 =	vmin.u32 v3, $0x6;
	v3 =	vsel vm0, $0x1, v0  }
0x12c: {  	s17 =	sshll.u32 s12, $0x7;
	s12 =	smov.u32 s15;
	v2 =	vadd.s32 v3, v2  }
0x12d: {  	s17 =	sand.u32 $0x3FFFFC00, s17;
	vm0 =	veq.s32 v2, $0x2;
	vm1 =	veq.s32 v2, $0x1;
	vm2 =	veq.s32 v2, $0x0  }
0x12e: {  	s17 =	sor.u32 s16, s17;
	v3 =	vsel vm0, $0x3F800000, v1;
	v4 =	vsel vm1, $0x3F800000, v1;
	v5 =	vsel vm2, $0x3F800000, v1  }
0x12f: {  	vm0 =	veq.s32 v2, $0x5;
	vm1 =	veq.s32 v2, $0x4;
	vm2 =	veq.s32 v2, $0x3;
	[tilespmem:s17+$0x3F00] =	vst v5  }
.Ltmp8:
0x130: {  	v5 =	vsel vm0, $0x3F800000, v1;
	v6 =	vsel vm1, $0x3F800000, v1;
	v7 =	vsel vm2, $0x3F800000, v1;
	[tilespmem:s17+$0x3E80] =	vst v4;
	(pc) =	sbr.rel @p0 .LBB2_10-.Ltmp8, $4  }
0x131: {  	vm0 =	veq.s32 v2, $0x6;
	[tilespmem:s17+$0x3E00] =	vst v3  }
0x132: {  	v2 =	vsel vm0, $0x3F800000, v1;
	[tilespmem:s17+$0x3D80] =	vst v7  }
0x133: {  	s14 =	sadd.s32 $0x10, s14;
	s18 =	sshll.u32 s15, $0x5;
	[tilespmem:s17+$0x3D00] =	vst v6  }
0x134: {  	s16 =	sand.u32 $0x70, s14;
	s15 =	sadd.s32 $0x1, s15;
	s18 =	sand.u32 $0xFFFFFF00, s18;
	[tilespmem:s17+$0x3C80] =	vst v5  }
0x135: {  	s14 =	sor.u32 s16, s18;
	[tilespmem:s17+$0x3C00] =	vst v2  }
0x136: {  	v2 =	vld [tilespmem:s14+$0xA80]  }
0x137: {  	v3 =	vld [tilespmem:s14+$0x80];
	_ =	sdelay $0x4  }
0x138: {  	v2 =	vsub.s32 v3, v2  }
0x139: {  	v3 =	vadd.s32 $0x6, v2  }
0x13a: {  	v2 =	vadd.s32 $0xB, v2;
	vm0 =	vgt.s32 v3, $0x0  }
0x13b: {  	vm9 =	vgt.s32 v2, $0x0;
	v3 =	vnsel vm0, $0x0, v3  }
0x13c: {  	v2 =	vmin.u32 v3, $0x6;
	v3 =	vsel vm9, $0x1, v0  }
0x13d: {  	s12 =	sshll.u32 s12, $0x7;
	v2 =	vadd.s32 v3, v2  }
0x13e: {  	s12 =	sand.u32 $0x3FFFFC00, s12;
	vm10 =	veq.s32 v2, $0x0  }
0x13f: {  	s12 =	sor.u32 s16, s12;
	vm1 =	veq.s32 v2, $0x1;
	v3 =	vsel vm10, $0x3F800000, v1  }
0x140: {  	vm12 =	veq.s32 v2, $0x3;
	v4 =	vsel vm1, $0x3F800000, v1;
	[tilespmem:s12+$0x3F00] =	vst v3  }
0x141: {  	vm14 =	veq.s32 v2, $0x5;
	v62 =	vsel vm12, $0x3F800000, v1;
	[tilespmem:s12+$0x3E80] =	vst v4  }
0x142: {  	s13 =	smul.u32 $0x2800, s13;
	vm15 =	veq.s32 v2, $0x6;
	v63 =	vsel vm14, $0x3F800000, v1;
	[tilespmem:s12+$0x3D80] =	vst v62  }
0x143: {  	vm11 =	veq.s32 v2, $0x2;
	vm13 =	veq.s32 v2, $0x4;
	v2 =	vsel vm15, $0x3F800000, v1;
	[tilespmem:s12+$0x3C80] =	vst v63  }
0x144: {  	s13 =	sshrl.u32 s13, $0x3;
	v3 =	vsel vm11, $0x3F800000, v1;
	[tilespmem:s12+$0x3C00] =	vst v2  }
.Ltmp9:
0x145: {  	s13 =	sadd.s32 s5, s13;
	[tilespmem:s12+$0x3E00] =	vst v3;
	v3 =	vsel vm13, $0x3F800000, v1;
	(pc) =	sbr.rel .LBB2_12-.Ltmp9, $4  }
0x146: {  	s19 =	sadd.s32 $0x30D400, s13;
	[tilespmem:s12+$0x3D00] =	vst v3  }
0x147: {  	[hbm4b:s19+s7] =	stream.linear.scatter [tilespmem:s0], [sflag:$0x4], $0x2800, $0x38;
	[tilespmem:$0x10400] =	vst v63  }
0x148: {  	_ = 	snop  }
0x149: {  	[hbm4b:s13+s29] =	stream.strided.scatter [tilespmem:s28], [sflag:$0x4], $0x5000, s30, s29, $0x38;
	[tilespmem:$0x10400] =	vst v63  }
.LBB2_14:
0x14a: {  	_ =	sfence.sel $0x180000  }
0x14b: {  	[bflag:$0x0] =	sbarrier.arrive $0xFFFF  }
0x14c: {  	_ =	strace $0x90000047  }
0x14d: {  	s0 =	stileid.u32;
	[bflag:$0x2] =	sbarrier.arrive $0xFFFF  }
0x14e: {  	p0 =	sne.s32 s0, $0x0;
	s0 =	rddreg [dreg:$0x4]  }
0x14f: {  	s0 =	sadd.s32 @!p0 $0x100000, s0  }
0x150: {  	[sflag:s0] =	ssyncadd.tile.s32 @!p0 $0x1;
	_ =	shalt  }
.Lfunc_end2:
_tile_overlayer_lowered:
.L_overlay_start_2:
0x151: {  	(tag) =	ssettag $0x2  }
0x152: {  	s0 =	rddreg [dreg:$0x0];
	s2 =	stileid.u32  }
0x153: {  	s1 =	rddreg [dreg:$0x1];
	p0 =	sne.s32 s2, $0x0  }
0x154: {  	s3 =	rddreg [dreg:$0x2];
	[bflag:$0x3] =	sbarrier.arrive $0xFFFF;
	s2 =	simm.s32 @!p0 $0x1C05  }
0x155: {  	[timem:s3], [sflag:s2] =	dma.local @!p0 [hbm:s0], s1  }
0x156: {  	s0 =	simm.s32 @!p0 $0x5  }
0x157: {  	_ =	swait.ge @!p0 [sflag:s0], s1  }
0x158: {  	s1 =	ssub.s32 @!p0 $0x0, s1;
	[sflag:s0] =	ssyncset.done @!p0 $0x0  }
0x159: {  	[sflag:s0] =	ssyncadd.s32 @!p0 s1  }
0x15a: {  	[bflag:$0x3] =	sbarrier.arrive $0xFFFF  }
0x15b: {  	_ =	shalt  }

</sc_bundles>
